<compile_context>
chip_gen: v7x
topology: tpu7x:2x2x1
jax: 0.10.2.dev20260603
libtpu: 0.0.44.dev20260713+nightly
codegen_flags: <defaults>
</compile_context>

<pallas_src>
import functools

import jax
import jax.numpy as jnp
from jax import lax
from jax.experimental import pallas as pl
from jax.experimental.pallas import tpu as pltpu
from jax.experimental.pallas import tpu_sc as plsc

N_NODES = 10000
NSAMPLE = 32
IN_PLANES = 128
SHARE_PLANES = 8
MID = IN_PLANES // SHARE_PLANES
EPS = 1e-5
E = N_NODES * NSAMPLE

BE = 6400
GRID_E = E // BE

NC = 2
NS = 16
NW = NC * NS
EPW = E // NW
CH = 80
KCH = EPW // CH
RPW = 640
NPAD = NS * RPW

BN = 1000
GRID_N = N_NODES // BN


def _stats_body(rp_ref, s_ref, g_ref):
    g = pl.program_id(0)
    rp = rp_ref[...]
    gram = lax.dot_general(rp, rp, dimension_numbers=(((1,), (1,)), ((), ())),
                           preferred_element_type=jnp.float32)

    @pl.when(g == 0)
    def _():
        s_ref[...] = jnp.zeros_like(s_ref)
        g_ref[...] = jnp.zeros_like(g_ref)

    s_ref[...] += jnp.sum(rp, axis=1, keepdims=True)
    g_ref[...] += gram


def _dense_body(ss_ref, gg_ref, gam_ref, bet_ref, rp_ref, xn_ref, w4_ref,
                wm1_ref, wcat_ref, bcat_ref, out_ref):
    inv_e = jnp.float32(1.0 / E)
    w = w4_ref[...]
    mean = lax.dot_general(ss_ref[...], w,
                           dimension_numbers=(((0,), (0,)), ((), ())),
                           preferred_element_type=jnp.float32) * inv_e
    t = jnp.dot(gg_ref[...], w, preferred_element_type=jnp.float32)
    e2 = jnp.sum(w * t, axis=0, keepdims=True) * inv_e
    var = e2 - mean * mean
    scale = gam_ref[...] * lax.rsqrt(var + EPS)
    shift = bet_ref[...] - mean * scale
    h = lax.dot_general(rp_ref[...], w4_ref[...],
                        dimension_numbers=(((0,), (0,)), ((), ())),
                        preferred_element_type=jnp.float32)
    pos = jnp.maximum(h * scale + shift, 0.0)
    t = jnp.dot(xn_ref[...], wcat_ref[...],
                preferred_element_type=jnp.float32) + bcat_ref[...]
    mpos = jnp.dot(pos, wm1_ref[...], preferred_element_type=jnp.float32)
    m = jnp.maximum(t[:, :MID] + mpos, 0.0)
    v = jnp.maximum(t[:, MID:], 0.0)
    ex = jnp.exp(m)
    out_ref[...] = jnp.concatenate([ex, v * ex], axis=1)


def _scatter_body(idx_hbm, contrib_hbm, zero_hbm, out_hbm, idx_v, c32a, c32b,
                  c128, acc, sema, semb):
    c = lax.axis_index("c")
    s = lax.axis_index("s")
    wid = c * NS + s

    pltpu.sync_copy(zero_hbm, acc.at[pl.ds(s * RPW, RPW)])
    pltpu.sync_copy(zero_hbm.at[pl.ds(0, CH)], c128)
    plsc.subcore_barrier()

    pltpu.sync_copy(idx_hbm.at[wid], idx_v)

    def repack_scatter(j, c32):
        def repack(r, carry2):
            c128[r, pl.ds(0, 16)] = c32[r, pl.ds(0, 16)]
            c128[r, pl.ds(16, 16)] = c32[r, pl.ds(16, 16)]
            return carry2

        lax.fori_loop(0, CH, repack, 0, unroll=8)
        pltpu.sync_copy(c128, acc.at[idx_v.at[j]], add=True)

    NP2 = (KCH - 1) // 2
    pltpu.async_copy(contrib_hbm.at[wid, 1], c32a, sema)
    pltpu.sync_copy(contrib_hbm.at[wid, 0], c32b)
    repack_scatter(0, c32b)

    def pair(p, carry):
        j0 = 2 * p + 1
        pltpu.async_copy(contrib_hbm.at[wid, j0 + 1], c32b, semb)
        pltpu.make_async_copy(contrib_hbm.at[wid, j0], c32a, sema).wait()
        repack_scatter(j0, c32a)

        @pl.when(p + 1 < NP2)
        def _():
            pltpu.async_copy(contrib_hbm.at[wid, j0 + 2], c32a, sema)

        pltpu.make_async_copy(contrib_hbm.at[wid, j0 + 1], c32b, semb).wait()
        repack_scatter(j0 + 1, c32b)
        return carry

    lax.fori_loop(0, NP2, pair, 0, unroll=False)

    plsc.subcore_barrier()
    pltpu.sync_copy(acc.at[pl.ds(s * RPW, RPW)],
                    out_hbm.at[c, pl.ds(s * RPW, RPW)])


def _combine_body(parts_ref, xc_ref, out_ref):
    p = parts_ref[0] + parts_ref[1]
    s0 = p[:, :MID]
    s1 = p[:, MID:2 * MID]
    nonempty = s0 > 0.0
    agg = jnp.where(nonempty, s1 / jnp.where(nonempty, s0, 1.0), 0.0)
    out_ref[...] = xc_ref[...] + jnp.concatenate([agg] * SHARE_PLANES, axis=1)


def kernel(x_center, x_neighbors, neighbor_idx, rel_pos, W_pos, bn_gamma,
           bn_beta, W_mix, b_mix, W_val, b_val):
    f32 = jnp.float32
    rpt = rel_pos.reshape(E, 3).T
    xn = x_neighbors.reshape(E, IN_PLANES)
    wm1 = W_mix[:IN_PLANES]
    wcat = jnp.concatenate([W_mix[IN_PLANES:], W_val], axis=1)
    bcat = jnp.concatenate([b_mix, b_val]).reshape(1, 2 * MID)
    gam = bn_gamma.reshape(1, IN_PLANES)
    bet = bn_beta.reshape(1, IN_PLANES)

    ss, sq = pl.pallas_call(
        _stats_body,
        grid=(GRID_E,),
        in_specs=[
            pl.BlockSpec((3, BE), lambda g: (0, g)),
        ],
        out_specs=[
            pl.BlockSpec((3, 1), lambda g: (0, 0)),
            pl.BlockSpec((3, 3), lambda g: (0, 0)),
        ],
        out_shape=[
            jax.ShapeDtypeStruct((3, 1), f32),
            jax.ShapeDtypeStruct((3, 3), f32),
        ],
        compiler_params=pltpu.CompilerParams(
            dimension_semantics=("arbitrary",)),
    )(rpt)

    contrib = pl.pallas_call(
        _dense_body,
        grid=(GRID_E,),
        in_specs=[
            pl.BlockSpec((3, 1), lambda g: (0, 0)),
            pl.BlockSpec((3, 3), lambda g: (0, 0)),
            pl.BlockSpec((1, IN_PLANES), lambda g: (0, 0)),
            pl.BlockSpec((1, IN_PLANES), lambda g: (0, 0)),
            pl.BlockSpec((3, BE), lambda g: (0, g)),
            pl.BlockSpec((BE, IN_PLANES), lambda g: (g, 0)),
            pl.BlockSpec((3, IN_PLANES), lambda g: (0, 0)),
            pl.BlockSpec((IN_PLANES, MID), lambda g: (0, 0)),
            pl.BlockSpec((IN_PLANES, 2 * MID), lambda g: (0, 0)),
            pl.BlockSpec((1, 2 * MID), lambda g: (0, 0)),
        ],
        out_specs=pl.BlockSpec((BE, 2 * MID), lambda g: (g, 0)),
        out_shape=jax.ShapeDtypeStruct((E, 2 * MID), f32),
        compiler_params=pltpu.CompilerParams(
            dimension_semantics=("arbitrary",)),
    )(ss, sq, gam, bet, rpt, xn, W_pos, wm1, wcat, bcat)

    idx3 = neighbor_idx.reshape(NW, KCH, CH).astype(jnp.int32)
    c4 = contrib.reshape(NW, KCH, CH, 2 * MID)
    zeros = jnp.zeros((RPW, 128), f32)

    scatter = functools.partial(
        pl.kernel,
        out_type=jax.ShapeDtypeStruct((NC, NPAD, 128), f32),
        mesh=plsc.VectorSubcoreMesh(core_axis_name="c", subcore_axis_name="s",
                                    num_cores=NC, num_subcores=NS),
        scratch_types=[
            pltpu.VMEM((KCH, CH), jnp.int32),
            pltpu.VMEM((CH, 2 * MID), f32),
            pltpu.VMEM((CH, 2 * MID), f32),
            pltpu.VMEM((CH, 128), f32),
            pltpu.VMEM_SHARED((NPAD, 128), f32),
            pltpu.SemaphoreType.DMA,
            pltpu.SemaphoreType.DMA,
        ],
    )(_scatter_body)
    parts = scatter(idx3, c4, zeros)

    out = pl.pallas_call(
        _combine_body,
        grid=(GRID_N,),
        in_specs=[
            pl.BlockSpec((NC, BN, 128), lambda g: (0, g, 0)),
            pl.BlockSpec((BN, IN_PLANES), lambda g: (g, 0)),
        ],
        out_specs=pl.BlockSpec((BN, IN_PLANES), lambda g: (g, 0)),
        out_shape=jax.ShapeDtypeStruct((N_NODES, IN_PLANES), f32),
        compiler_params=pltpu.CompilerParams(
            dimension_semantics=("arbitrary",)),
    )(parts, x_center)
    return out

# --- scband reference (transcript-rebuilt; emitter-appended) ---
"""Pipeline reference for scband-propagate-layer-30571577213074 (READ-ONLY COPY).

The authoritative reference and input builder live on the scoring server;
editing this copy changes nothing except your own understanding.
"""

import jax, jax.numpy as jnp
import numpy as np

N = 10000
NSAMPLE = 32
IN_PLANES = 128
SHARE_PLANES = 8
MID = IN_PLANES // SHARE_PLANES  # 16
EPS = 1e-5


def setup_inputs(seed: int = 0):
    key = jax.random.key(seed)
    ks = jax.random.split(key, 8)
    x_center = jax.random.normal(ks[0], (N, IN_PLANES), dtype=jnp.float32)
    x_neighbors = jax.random.normal(ks[1], (N, NSAMPLE, IN_PLANES), dtype=jnp.float32)
    neighbor_idx = jax.random.randint(ks[2], (N, NSAMPLE), 0, N)
    rel_pos = jax.random.normal(ks[3], (N, NSAMPLE, 3), dtype=jnp.float32)
    W_pos = jax.random.normal(ks[4], (3, IN_PLANES), dtype=jnp.float32) * 0.1
    bn_gamma = jnp.ones((IN_PLANES,), jnp.float32)
    bn_beta = jnp.zeros((IN_PLANES,), jnp.float32)
    W_mix = jax.random.normal(ks[5], (2 * IN_PLANES, MID), dtype=jnp.float32) * 0.05
    b_mix = jnp.zeros((MID,), jnp.float32)
    W_val = jax.random.normal(ks[6], (IN_PLANES, MID), dtype=jnp.float32) * 0.05
    b_val = jnp.zeros((MID,), jnp.float32)
    return {
        'x_center': x_center,
        'x_neighbors': x_neighbors,
        'neighbor_idx': neighbor_idx,
        'rel_pos': rel_pos,
        'W_pos': W_pos,
        'bn_gamma': bn_gamma,
        'bn_beta': bn_beta,
        'W_mix': W_mix,
        'b_mix': b_mix,
        'W_val': W_val,
        'b_val': b_val,
    }


def reference(x_center, x_neighbors, neighbor_idx, rel_pos, W_pos, bn_gamma, bn_beta, W_mix, b_mix, W_val, b_val):
    idx = neighbor_idx.reshape(-1)
    rp = rel_pos.reshape(-1, 3)
    xn = x_neighbors.reshape(-1, IN_PLANES)
    # pos_encoder: Linear(3, in_planes, bias=False) -> BatchNorm1d (training stats, biased var) -> ReLU
    h = rp @ W_pos
    mean = jnp.mean(h, axis=0)
    var = jnp.var(h, axis=0)
    h = (h - mean) / jnp.sqrt(var + EPS) * bn_gamma + bn_beta
    pos_emb = jax.nn.relu(h)
    # mixer: Linear(2*in_planes, in_planes//share_planes) -> ReLU
    mixed = jnp.concatenate([pos_emb, xn], axis=1)
    mixer_out = jax.nn.relu(mixed @ W_mix + b_mix)
    # scatter_softmax over neighbor_idx (dim 0)
    seg_max = jax.ops.segment_max(mixer_out, idx, num_segments=N)
    ex = jnp.exp(mixer_out - seg_max[idx])
    denom = jax.ops.segment_sum(ex, idx, num_segments=N)
    attn = ex / denom[idx]
    # value_proj: Linear -> ReLU
    values = jax.nn.relu(xn @ W_val + b_val)
    weighted = values * attn
    agg = jax.ops.segment_sum(weighted, idx, num_segments=N)
    out = x_center + jnp.tile(agg, (1, SHARE_PLANES))
    return out

if __name__ == "__main__":
    import jax
    _d = setup_inputs()
    print(jax.jit(kernel)(*tuple(_d.values())))

</pallas_src>

<mosaic_0001>
#map = affine_map<(d0, d1) -> (0, 0, 0)>
#map1 = affine_map<(d0, d1) -> (0, 0, 0, 0)>
#map2 = affine_map<(d0, d1) -> (0, 0)>
module attributes {stable_mosaic.version = 14 : i64} {
  func.func @_scatter_body(%arg0: i32, %arg1: i32, %arg2: memref<32x125x80xi32, #tpu.memory_space<hbm>>, %arg3: memref<32x125x80x32xf32, #tpu.memory_space<hbm>>, %arg4: memref<640x128xf32, #tpu.memory_space<hbm>>, %arg5: memref<2x10240x128xf32, #tpu.memory_space<hbm>>, %arg6: memref<125x80xi32, #tpu.memory_space<vmem>>, %arg7: memref<80x32xf32, #tpu.memory_space<vmem>>, %arg8: memref<80x32xf32, #tpu.memory_space<vmem>>, %arg9: memref<80x128xf32, #tpu.memory_space<vmem>>, %arg10: memref<10240x128xf32, #tpu.memory_space<vmem_shared>>, %arg11: memref<!tpu.dma_semaphore, #tpu.memory_space<semaphore_mem>>, %arg12: memref<!tpu.dma_semaphore, #tpu.memory_space<semaphore_mem>>) attributes {dimension_semantics = [#tpu.dimension_semantics<core_parallel>, #tpu.dimension_semantics<subcore_parallel>], iteration_bounds = array<i64: 2, 16>, scalar_prefetch = 0 : i64, scratch_operands = 7 : i64, tpu.core_type = #tpu.core_type<sc_vector_subcore>, window_params = [{transform_indices = #map}, {transform_indices = #map1}, {transform_indices = #map2}, {transform_indices = #map}]} {
    %mul3A = arith.constant 16 : i32
    %mul3A_0 = arith.muli %arg0, %mul3A : i32
    %add3A = arith.addi %mul3A_0, %arg1 : i32
    %mul3A_1 = arith.constant 640 : i32
    %mul3A_2 = arith.muli %arg1, %mul3A_1 : i32
    "tpu.region"() ({
      %run_scoped3A_28 = tpu.sem_alloc : memref<!tpu.dma_semaphore, #tpu.memory_space<semaphore_mem>>
      %dma_start3A_29 = arith.constant 0 : i32
      %dma_start3A_30 = tpu.memref_slice %arg10[%mul3A_2, %dma_start3A_29] : memref<10240x128xf32, #tpu.memory_space<vmem_shared>> -> memref<640x128xf32, #tpu.memory_space<vmem_shared>>
      tpu.enqueue_dma source(%arg4 : memref<640x128xf32, #tpu.memory_space<hbm>>) target(%dma_start3A_30 : memref<640x128xf32, #tpu.memory_space<vmem_shared>>) target_semaphore(%run_scoped3A_28 : memref<!tpu.dma_semaphore, #tpu.memory_space<semaphore_mem>>)
      %dma_wait3A = arith.constant 0 : i32
      %dma_wait3A_31 = tpu.memref_slice %arg10[%mul3A_2, %dma_wait3A] : memref<10240x128xf32, #tpu.memory_space<vmem_shared>> -> memref<640x128xf32, #tpu.memory_space<vmem_shared>>
      tpu.wait_dma2 semaphore(%run_scoped3A_28 : memref<!tpu.dma_semaphore, #tpu.memory_space<semaphore_mem>>) src(%arg4 : memref<640x128xf32, #tpu.memory_space<hbm>>) dst(%dma_wait3A_31 : memref<640x128xf32, #tpu.memory_space<vmem_shared>>)
      tpu.yield
    }) : () -> ()
    "tpu.region"() ({
      %run_scoped3A_28 = tpu.sem_alloc : memref<!tpu.dma_semaphore, #tpu.memory_space<semaphore_mem>>
      %dma_start3A_29 = arith.constant 0 : i32
      %dma_start3A_30 = arith.constant 0 : i32
      %dma_start3A_31 = tpu.memref_slice %arg4[%dma_start3A_29, %dma_start3A_30] : memref<640x128xf32, #tpu.memory_space<hbm>> -> memref<80x128xf32, #tpu.memory_space<hbm>>
      %dma_start3A_32 = arith.constant 0 : i32
      %dma_start3A_33 = arith.constant 0 : i32
      %dma_start3A_34 = tpu.memref_slice %arg4[%dma_start3A_32, %dma_start3A_33] : memref<640x128xf32, #tpu.memory_space<hbm>> -> memref<80x128xf32, #tpu.memory_space<hbm>>
      tpu.enqueue_dma source(%dma_start3A_34 : memref<80x128xf32, #tpu.memory_space<hbm>>) target(%arg9 : memref<80x128xf32, #tpu.memory_space<vmem>>) target_semaphore(%run_scoped3A_28 : memref<!tpu.dma_semaphore, #tpu.memory_space<semaphore_mem>>)
      %dma_wait3A = arith.constant 0 : i32
      %dma_wait3A_35 = arith.constant 0 : i32
      %dma_wait3A_36 = tpu.memref_slice %arg4[%dma_wait3A, %dma_wait3A_35] : memref<640x128xf32, #tpu.memory_space<hbm>> -> memref<80x128xf32, #tpu.memory_space<hbm>>
      %dma_wait3A_37 = arith.constant 0 : i32
      %dma_wait3A_38 = arith.constant 0 : i32
      %dma_wait3A_39 = tpu.memref_slice %arg4[%dma_wait3A_37, %dma_wait3A_38] : memref<640x128xf32, #tpu.memory_space<hbm>> -> memref<80x128xf32, #tpu.memory_space<hbm>>
      tpu.wait_dma2 semaphore(%run_scoped3A_28 : memref<!tpu.dma_semaphore, #tpu.memory_space<semaphore_mem>>) src(%dma_wait3A_39 : memref<80x128xf32, #tpu.memory_space<hbm>>) dst(%arg9 : memref<80x128xf32, #tpu.memory_space<vmem>>)
      tpu.yield
    }) : () -> ()
    %barrier3A = arith.constant 0 : index
    tpu.barrier barrier_id(%barrier3A)
    "tpu.region"() ({
      %run_scoped3A_28 = tpu.sem_alloc : memref<!tpu.dma_semaphore, #tpu.memory_space<semaphore_mem>>
      %dma_start3A_29 = arith.constant 0 : i32
      %dma_start3A_30 = arith.constant 0 : i32
      %dma_start3A_31 = tpu.memref_slice %arg2[%add3A, %dma_start3A_29, %dma_start3A_30] : memref<32x125x80xi32, #tpu.memory_space<hbm>> -> memref<1x125x80xi32, #tpu.memory_space<hbm>>
      %dma_start3A_32 = tpu.memref_squeeze %dma_start3A_31 : memref<1x125x80xi32, #tpu.memory_space<hbm>> -> memref<125x80xi32, #tpu.memory_space<hbm>>
      %dma_start3A_33 = arith.constant 0 : i32
      %dma_start3A_34 = arith.constant 0 : i32
      %dma_start3A_35 = tpu.memref_slice %arg2[%add3A, %dma_start3A_33, %dma_start3A_34] : memref<32x125x80xi32, #tpu.memory_space<hbm>> -> memref<1x125x80xi32, #tpu.memory_space<hbm>>
      %dma_start3A_36 = tpu.memref_squeeze %dma_start3A_35 : memref<1x125x80xi32, #tpu.memory_space<hbm>> -> memref<125x80xi32, #tpu.memory_space<hbm>>
      tpu.enqueue_dma source(%dma_start3A_36 : memref<125x80xi32, #tpu.memory_space<hbm>>) target(%arg6 : memref<125x80xi32, #tpu.memory_space<vmem>>) target_semaphore(%run_scoped3A_28 : memref<!tpu.dma_semaphore, #tpu.memory_space<semaphore_mem>>)
      %dma_wait3A = arith.constant 0 : i32
      %dma_wait3A_37 = arith.constant 0 : i32
      %dma_wait3A_38 = tpu.memref_slice %arg2[%add3A, %dma_wait3A, %dma_wait3A_37] : memref<32x125x80xi32, #tpu.memory_space<hbm>> -> memref<1x125x80xi32, #tpu.memory_space<hbm>>
      %dma_wait3A_39 = tpu.memref_squeeze %dma_wait3A_38 : memref<1x125x80xi32, #tpu.memory_space<hbm>> -> memref<125x80xi32, #tpu.memory_space<hbm>>
      %dma_wait3A_40 = arith.constant 0 : i32
      %dma_wait3A_41 = arith.constant 0 : i32
      %dma_wait3A_42 = tpu.memref_slice %arg2[%add3A, %dma_wait3A_40, %dma_wait3A_41] : memref<32x125x80xi32, #tpu.memory_space<hbm>> -> memref<1x125x80xi32, #tpu.memory_space<hbm>>
      %dma_wait3A_43 = tpu.memref_squeeze %dma_wait3A_42 : memref<1x125x80xi32, #tpu.memory_space<hbm>> -> memref<125x80xi32, #tpu.memory_space<hbm>>
      tpu.wait_dma2 semaphore(%run_scoped3A_28 : memref<!tpu.dma_semaphore, #tpu.memory_space<semaphore_mem>>) src(%dma_wait3A_43 : memref<125x80xi32, #tpu.memory_space<hbm>>) dst(%arg6 : memref<125x80xi32, #tpu.memory_space<vmem>>)
      tpu.yield
    }) : () -> ()
    %dma_start3A = arith.constant 1 : i32
    %dma_start3A_3 = arith.constant 0 : i32
    %dma_start3A_4 = arith.constant 0 : i32
    %dma_start3A_5 = tpu.memref_slice %arg3[%add3A, %dma_start3A, %dma_start3A_3, %dma_start3A_4] : memref<32x125x80x32xf32, #tpu.memory_space<hbm>> -> memref<1x1x80x32xf32, #tpu.memory_space<hbm>>
    %dma_start3A_6 = tpu.memref_squeeze %dma_start3A_5 : memref<1x1x80x32xf32, #tpu.memory_space<hbm>> -> memref<80x32xf32, #tpu.memory_space<hbm>>
    %dma_start3A_7 = arith.constant 0 : i32
    %dma_start3A_8 = arith.constant 0 : i32
    %dma_start3A_9 = tpu.memref_slice %arg3[%add3A, %dma_start3A, %dma_start3A_7, %dma_start3A_8] : memref<32x125x80x32xf32, #tpu.memory_space<hbm>> -> memref<1x1x80x32xf32, #tpu.memory_space<hbm>>
    %dma_start3A_10 = tpu.memref_squeeze %dma_start3A_9 : memref<1x1x80x32xf32, #tpu.memory_space<hbm>> -> memref<80x32xf32, #tpu.memory_space<hbm>>
    tpu.enqueue_dma source(%dma_start3A_10 : memref<80x32xf32, #tpu.memory_space<hbm>>) target(%arg7 : memref<80x32xf32, #tpu.memory_space<vmem>>) target_semaphore(%arg11 : memref<!tpu.dma_semaphore, #tpu.memory_space<semaphore_mem>>)
    %run_scoped3A = arith.constant 0 : i32
    "tpu.region"() ({
      %run_scoped3A_28 = tpu.sem_alloc : memref<!tpu.dma_semaphore, #tpu.memory_space<semaphore_mem>>
      %dma_start3A_29 = arith.constant 0 : i32
      %dma_start3A_30 = arith.constant 0 : i32
      %dma_start3A_31 = tpu.memref_slice %arg3[%add3A, %run_scoped3A, %dma_start3A_29, %dma_start3A_30] : memref<32x125x80x32xf32, #tpu.memory_space<hbm>> -> memref<1x1x80x32xf32, #tpu.memory_space<hbm>>
      %dma_start3A_32 = tpu.memref_squeeze %dma_start3A_31 : memref<1x1x80x32xf32, #tpu.memory_space<hbm>> -> memref<80x32xf32, #tpu.memory_space<hbm>>
      %dma_start3A_33 = arith.constant 0 : i32
      %dma_start3A_34 = arith.constant 0 : i32
      %dma_start3A_35 = tpu.memref_slice %arg3[%add3A, %run_scoped3A, %dma_start3A_33, %dma_start3A_34] : memref<32x125x80x32xf32, #tpu.memory_space<hbm>> -> memref<1x1x80x32xf32, #tpu.memory_space<hbm>>
      %dma_start3A_36 = tpu.memref_squeeze %dma_start3A_35 : memref<1x1x80x32xf32, #tpu.memory_space<hbm>> -> memref<80x32xf32, #tpu.memory_space<hbm>>
      tpu.enqueue_dma source(%dma_start3A_36 : memref<80x32xf32, #tpu.memory_space<hbm>>) target(%arg8 : memref<80x32xf32, #tpu.memory_space<vmem>>) target_semaphore(%run_scoped3A_28 : memref<!tpu.dma_semaphore, #tpu.memory_space<semaphore_mem>>)
      %dma_wait3A = arith.constant 0 : i32
      %dma_wait3A_37 = arith.constant 0 : i32
      %dma_wait3A_38 = tpu.memref_slice %arg3[%add3A, %run_scoped3A, %dma_wait3A, %dma_wait3A_37] : memref<32x125x80x32xf32, #tpu.memory_space<hbm>> -> memref<1x1x80x32xf32, #tpu.memory_space<hbm>>
      %dma_wait3A_39 = tpu.memref_squeeze %dma_wait3A_38 : memref<1x1x80x32xf32, #tpu.memory_space<hbm>> -> memref<80x32xf32, #tpu.memory_space<hbm>>
      %dma_wait3A_40 = arith.constant 0 : i32
      %dma_wait3A_41 = arith.constant 0 : i32
      %dma_wait3A_42 = tpu.memref_slice %arg3[%add3A, %run_scoped3A, %dma_wait3A_40, %dma_wait3A_41] : memref<32x125x80x32xf32, #tpu.memory_space<hbm>> -> memref<1x1x80x32xf32, #tpu.memory_space<hbm>>
      %dma_wait3A_43 = tpu.memref_squeeze %dma_wait3A_42 : memref<1x1x80x32xf32, #tpu.memory_space<hbm>> -> memref<80x32xf32, #tpu.memory_space<hbm>>
      tpu.wait_dma2 semaphore(%run_scoped3A_28 : memref<!tpu.dma_semaphore, #tpu.memory_space<semaphore_mem>>) src(%dma_wait3A_43 : memref<80x32xf32, #tpu.memory_space<hbm>>) dst(%arg8 : memref<80x32xf32, #tpu.memory_space<vmem>>)
      tpu.yield
    }) : () -> ()
    %scan3A = arith.constant 0 : i32
    %scan3A_11 = arith.constant 0 : i32
    %scan3A_12 = arith.constant 80 : i32
    %scan3A_13 = arith.addi %scan3A_11, %scan3A_12 : i32
    %scan3A_14 = arith.constant 8 : i32
    scf.for %scan3A_28 = %scan3A_11 to %scan3A_13 step %scan3A_14  : i32 {
      %get3A = arith.index_cast %scan3A_28 : i32 to index
      %get3A_29 = arith.constant 0 : index
      %get3A_30 = tpu.vector_load %arg8[%get3A, %get3A_29] {strides = array<i32>} : memref<80x32xf32, #tpu.memory_space<vmem>>, vector<1x16xf32>,
      %get3A_31 = vector.shape_cast %get3A_30 : vector<1x16xf32> to vector<16xf32>
      %swap3A = arith.index_cast %scan3A_28 : i32 to index
      %swap3A_32 = arith.constant 0 : index
      %swap3A_33 = tpu.vector_load %arg9[%swap3A, %swap3A_32] {strides = array<i32>} : memref<80x128xf32, #tpu.memory_space<vmem>>, vector<1x16xf32>,
      %swap3A_34 = vector.shape_cast %swap3A_33 : vector<1x16xf32> to vector<16xf32>
      %swap3A_35 = vector.shape_cast %get3A_31 : vector<16xf32> to vector<1x16xf32>
      tpu.vector_store %arg9[%swap3A, %swap3A_32], %swap3A_35 {strides = array<i32>} : memref<80x128xf32, #tpu.memory_space<vmem>>, vector<1x16xf32>,
      %get3A_36 = arith.index_cast %scan3A_28 : i32 to index
      %get3A_37 = arith.constant 16 : index
      %get3A_38 = tpu.vector_load %arg8[%get3A_36, %get3A_37] {strides = array<i32>} : memref<80x32xf32, #tpu.memory_space<vmem>>, vector<1x16xf32>,
      %get3A_39 = vector.shape_cast %get3A_38 : vector<1x16xf32> to vector<16xf32>
      %swap3A_40 = arith.index_cast %scan3A_28 : i32 to index
      %swap3A_41 = arith.constant 16 : index
      %swap3A_42 = tpu.vector_load %arg9[%swap3A_40, %swap3A_41] {strides = array<i32>} : memref<80x128xf32, #tpu.memory_space<vmem>>, vector<1x16xf32>,
      %swap3A_43 = vector.shape_cast %swap3A_42 : vector<1x16xf32> to vector<16xf32>
      %swap3A_44 = vector.shape_cast %get3A_39 : vector<16xf32> to vector<1x16xf32>
      tpu.vector_store %arg9[%swap3A_40, %swap3A_41], %swap3A_44 {strides = array<i32>} : memref<80x128xf32, #tpu.memory_space<vmem>>, vector<1x16xf32>,
      %scan3A_45 = arith.constant 1 : i32
      %scan3A_46 = arith.addi %scan3A_28, %scan3A_45 : i32
      %get3A_47 = arith.index_cast %scan3A_46 : i32 to index
      %get3A_48 = arith.constant 0 : index
      %get3A_49 = tpu.vector_load %arg8[%get3A_47, %get3A_48] {strides = array<i32>} : memref<80x32xf32, #tpu.memory_space<vmem>>, vector<1x16xf32>,
      %get3A_50 = vector.shape_cast %get3A_49 : vector<1x16xf32> to vector<16xf32>
      %swap3A_51 = arith.index_cast %scan3A_46 : i32 to index
      %swap3A_52 = arith.constant 0 : index
      %swap3A_53 = tpu.vector_load %arg9[%swap3A_51, %swap3A_52] {strides = array<i32>} : memref<80x128xf32, #tpu.memory_space<vmem>>, vector<1x16xf32>,
      %swap3A_54 = vector.shape_cast %swap3A_53 : vector<1x16xf32> to vector<16xf32>
      %swap3A_55 = vector.shape_cast %get3A_50 : vector<16xf32> to vector<1x16xf32>
      tpu.vector_store %arg9[%swap3A_51, %swap3A_52], %swap3A_55 {strides = array<i32>} : memref<80x128xf32, #tpu.memory_space<vmem>>, vector<1x16xf32>,
      %get3A_56 = arith.index_cast %scan3A_46 : i32 to index
      %get3A_57 = arith.constant 16 : index
      %get3A_58 = tpu.vector_load %arg8[%get3A_56, %get3A_57] {strides = array<i32>} : memref<80x32xf32, #tpu.memory_space<vmem>>, vector<1x16xf32>,
      %get3A_59 = vector.shape_cast %get3A_58 : vector<1x16xf32> to vector<16xf32>
      %swap3A_60 = arith.index_cast %scan3A_46 : i32 to index
      %swap3A_61 = arith.constant 16 : index
      %swap3A_62 = tpu.vector_load %arg9[%swap3A_60, %swap3A_61] {strides = array<i32>} : memref<80x128xf32, #tpu.memory_space<vmem>>, vector<1x16xf32>,
      %swap3A_63 = vector.shape_cast %swap3A_62 : vector<1x16xf32> to vector<16xf32>
      %swap3A_64 = vector.shape_cast %get3A_59 : vector<16xf32> to vector<1x16xf32>
      tpu.vector_store %arg9[%swap3A_60, %swap3A_61], %swap3A_64 {strides = array<i32>} : memref<80x128xf32, #tpu.memory_space<vmem>>, vector<1x16xf32>,
      %scan3A_65 = arith.constant 2 : i32
      %scan3A_66 = arith.addi %scan3A_28, %scan3A_65 : i32
      %get3A_67 = arith.index_cast %scan3A_66 : i32 to index
      %get3A_68 = arith.constant 0 : index
      %get3A_69 = tpu.vector_load %arg8[%get3A_67, %get3A_68] {strides = array<i32>} : memref<80x32xf32, #tpu.memory_space<vmem>>, vector<1x16xf32>,
      %get3A_70 = vector.shape_cast %get3A_69 : vector<1x16xf32> to vector<16xf32>
      %swap3A_71 = arith.index_cast %scan3A_66 : i32 to index
      %swap3A_72 = arith.constant 0 : index
      %swap3A_73 = tpu.vector_load %arg9[%swap3A_71, %swap3A_72] {strides = array<i32>} : memref<80x128xf32, #tpu.memory_space<vmem>>, vector<1x16xf32>,
      %swap3A_74 = vector.shape_cast %swap3A_73 : vector<1x16xf32> to vector<16xf32>
      %swap3A_75 = vector.shape_cast %get3A_70 : vector<16xf32> to vector<1x16xf32>
      tpu.vector_store %arg9[%swap3A_71, %swap3A_72], %swap3A_75 {strides = array<i32>} : memref<80x128xf32, #tpu.memory_space<vmem>>, vector<1x16xf32>,
      %get3A_76 = arith.index_cast %scan3A_66 : i32 to index
      %get3A_77 = arith.constant 16 : index
      %get3A_78 = tpu.vector_load %arg8[%get3A_76, %get3A_77] {strides = array<i32>} : memref<80x32xf32, #tpu.memory_space<vmem>>, vector<1x16xf32>,
      %get3A_79 = vector.shape_cast %get3A_78 : vector<1x16xf32> to vector<16xf32>
      %swap3A_80 = arith.index_cast %scan3A_66 : i32 to index
      %swap3A_81 = arith.constant 16 : index
      %swap3A_82 = tpu.vector_load %arg9[%swap3A_80, %swap3A_81] {strides = array<i32>} : memref<80x128xf32, #tpu.memory_space<vmem>>, vector<1x16xf32>,
      %swap3A_83 = vector.shape_cast %swap3A_82 : vector<1x16xf32> to vector<16xf32>
      %swap3A_84 = vector.shape_cast %get3A_79 : vector<16xf32> to vector<1x16xf32>
      tpu.vector_store %arg9[%swap3A_80, %swap3A_81], %swap3A_84 {strides = array<i32>} : memref<80x128xf32, #tpu.memory_space<vmem>>, vector<1x16xf32>,
      %scan3A_85 = arith.constant 3 : i32
      %scan3A_86 = arith.addi %scan3A_28, %scan3A_85 : i32
      %get3A_87 = arith.index_cast %scan3A_86 : i32 to index
      %get3A_88 = arith.constant 0 : index
      %get3A_89 = tpu.vector_load %arg8[%get3A_87, %get3A_88] {strides = array<i32>} : memref<80x32xf32, #tpu.memory_space<vmem>>, vector<1x16xf32>,
      %get3A_90 = vector.shape_cast %get3A_89 : vector<1x16xf32> to vector<16xf32>
      %swap3A_91 = arith.index_cast %scan3A_86 : i32 to index
      %swap3A_92 = arith.constant 0 : index
      %swap3A_93 = tpu.vector_load %arg9[%swap3A_91, %swap3A_92] {strides = array<i32>} : memref<80x128xf32, #tpu.memory_space<vmem>>, vector<1x16xf32>,
      %swap3A_94 = vector.shape_cast %swap3A_93 : vector<1x16xf32> to vector<16xf32>
      %swap3A_95 = vector.shape_cast %get3A_90 : vector<16xf32> to vector<1x16xf32>
      tpu.vector_store %arg9[%swap3A_91, %swap3A_92], %swap3A_95 {strides = array<i32>} : memref<80x128xf32, #tpu.memory_space<vmem>>, vector<1x16xf32>,
      %get3A_96 = arith.index_cast %scan3A_86 : i32 to index
      %get3A_97 = arith.constant 16 : index
      %get3A_98 = tpu.vector_load %arg8[%get3A_96, %get3A_97] {strides = array<i32>} : memref<80x32xf32, #tpu.memory_space<vmem>>, vector<1x16xf32>,
      %get3A_99 = vector.shape_cast %get3A_98 : vector<1x16xf32> to vector<16xf32>
      %swap3A_100 = arith.index_cast %scan3A_86 : i32 to index
      %swap3A_101 = arith.constant 16 : index
      %swap3A_102 = tpu.vector_load %arg9[%swap3A_100, %swap3A_101] {strides = array<i32>} : memref<80x128xf32, #tpu.memory_space<vmem>>, vector<1x16xf32>,
      %swap3A_103 = vector.shape_cast %swap3A_102 : vector<1x16xf32> to vector<16xf32>
      %swap3A_104 = vector.shape_cast %get3A_99 : vector<16xf32> to vector<1x16xf32>
      tpu.vector_store %arg9[%swap3A_100, %swap3A_101], %swap3A_104 {strides = array<i32>} : memref<80x128xf32, #tpu.memory_space<vmem>>, vector<1x16xf32>,
      %scan3A_105 = arith.constant 4 : i32
      %scan3A_106 = arith.addi %scan3A_28, %scan3A_105 : i32
      %get3A_107 = arith.index_cast %scan3A_106 : i32 to index
      %get3A_108 = arith.constant 0 : index
      %get3A_109 = tpu.vector_load %arg8[%get3A_107, %get3A_108] {strides = array<i32>} : memref<80x32xf32, #tpu.memory_space<vmem>>, vector<1x16xf32>,
      %get3A_110 = vector.shape_cast %get3A_109 : vector<1x16xf32> to vector<16xf32>
      %swap3A_111 = arith.index_cast %scan3A_106 : i32 to index
      %swap3A_112 = arith.constant 0 : index
      %swap3A_113 = tpu.vector_load %arg9[%swap3A_111, %swap3A_112] {strides = array<i32>} : memref<80x128xf32, #tpu.memory_space<vmem>>, vector<1x16xf32>,
      %swap3A_114 = vector.shape_cast %swap3A_113 : vector<1x16xf32> to vector<16xf32>
      %swap3A_115 = vector.shape_cast %get3A_110 : vector<16xf32> to vector<1x16xf32>
      tpu.vector_store %arg9[%swap3A_111, %swap3A_112], %swap3A_115 {strides = array<i32>} : memref<80x128xf32, #tpu.memory_space<vmem>>, vector<1x16xf32>,
      %get3A_116 = arith.index_cast %scan3A_106 : i32 to index
      %get3A_117 = arith.constant 16 : index
      %get3A_118 = tpu.vector_load %arg8[%get3A_116, %get3A_117] {strides = array<i32>} : memref<80x32xf32, #tpu.memory_space<vmem>>, vector<1x16xf32>,
      %get3A_119 = vector.shape_cast %get3A_118 : vector<1x16xf32> to vector<16xf32>
      %swap3A_120 = arith.index_cast %scan3A_106 : i32 to index
      %swap3A_121 = arith.constant 16 : index
      %swap3A_122 = tpu.vector_load %arg9[%swap3A_120, %swap3A_121] {strides = array<i32>} : memref<80x128xf32, #tpu.memory_space<vmem>>, vector<1x16xf32>,
      %swap3A_123 = vector.shape_cast %swap3A_122 : vector<1x16xf32> to vector<16xf32>
      %swap3A_124 = vector.shape_cast %get3A_119 : vector<16xf32> to vector<1x16xf32>
      tpu.vector_store %arg9[%swap3A_120, %swap3A_121], %swap3A_124 {strides = array<i32>} : memref<80x128xf32, #tpu.memory_space<vmem>>, vector<1x16xf32>,
      %scan3A_125 = arith.constant 5 : i32
      %scan3A_126 = arith.addi %scan3A_28, %scan3A_125 : i32
      %get3A_127 = arith.index_cast %scan3A_126 : i32 to index
      %get3A_128 = arith.constant 0 : index
      %get3A_129 = tpu.vector_load %arg8[%get3A_127, %get3A_128] {strides = array<i32>} : memref<80x32xf32, #tpu.memory_space<vmem>>, vector<1x16xf32>,
      %get3A_130 = vector.shape_cast %get3A_129 : vector<1x16xf32> to vector<16xf32>
      %swap3A_131 = arith.index_cast %scan3A_126 : i32 to index
      %swap3A_132 = arith.constant 0 : index
      %swap3A_133 = tpu.vector_load %arg9[%swap3A_131, %swap3A_132] {strides = array<i32>} : memref<80x128xf32, #tpu.memory_space<vmem>>, vector<1x16xf32>,
      %swap3A_134 = vector.shape_cast %swap3A_133 : vector<1x16xf32> to vector<16xf32>
      %swap3A_135 = vector.shape_cast %get3A_130 : vector<16xf32> to vector<1x16xf32>
      tpu.vector_store %arg9[%swap3A_131, %swap3A_132], %swap3A_135 {strides = array<i32>} : memref<80x128xf32, #tpu.memory_space<vmem>>, vector<1x16xf32>,
      %get3A_136 = arith.index_cast %scan3A_126 : i32 to index
      %get3A_137 = arith.constant 16 : index
      %get3A_138 = tpu.vector_load %arg8[%get3A_136, %get3A_137] {strides = array<i32>} : memref<80x32xf32, #tpu.memory_space<vmem>>, vector<1x16xf32>,
      %get3A_139 = vector.shape_cast %get3A_138 : vector<1x16xf32> to vector<16xf32>
      %swap3A_140 = arith.index_cast %scan3A_126 : i32 to index
      %swap3A_141 = arith.constant 16 : index
      %swap3A_142 = tpu.vector_load %arg9[%swap3A_140, %swap3A_141] {strides = array<i32>} : memref<80x128xf32, #tpu.memory_space<vmem>>, vector<1x16xf32>,
      %swap3A_143 = vector.shape_cast %swap3A_142 : vector<1x16xf32> to vector<16xf32>
      %swap3A_144 = vector.shape_cast %get3A_139 : vector<16xf32> to vector<1x16xf32>
      tpu.vector_store %arg9[%swap3A_140, %swap3A_141], %swap3A_144 {strides = array<i32>} : memref<80x128xf32, #tpu.memory_space<vmem>>, vector<1x16xf32>,
      %scan3A_145 = arith.constant 6 : i32
      %scan3A_146 = arith.addi %scan3A_28, %scan3A_145 : i32
      %get3A_147 = arith.index_cast %scan3A_146 : i32 to index
      %get3A_148 = arith.constant 0 : index
      %get3A_149 = tpu.vector_load %arg8[%get3A_147, %get3A_148] {strides = array<i32>} : memref<80x32xf32, #tpu.memory_space<vmem>>, vector<1x16xf32>,
      %get3A_150 = vector.shape_cast %get3A_149 : vector<1x16xf32> to vector<16xf32>
      %swap3A_151 = arith.index_cast %scan3A_146 : i32 to index
      %swap3A_152 = arith.constant 0 : index
      %swap3A_153 = tpu.vector_load %arg9[%swap3A_151, %swap3A_152] {strides = array<i32>} : memref<80x128xf32, #tpu.memory_space<vmem>>, vector<1x16xf32>,
      %swap3A_154 = vector.shape_cast %swap3A_153 : vector<1x16xf32> to vector<16xf32>
      %swap3A_155 = vector.shape_cast %get3A_150 : vector<16xf32> to vector<1x16xf32>
      tpu.vector_store %arg9[%swap3A_151, %swap3A_152], %swap3A_155 {strides = array<i32>} : memref<80x128xf32, #tpu.memory_space<vmem>>, vector<1x16xf32>,
      %get3A_156 = arith.index_cast %scan3A_146 : i32 to index
      %get3A_157 = arith.constant 16 : index
      %get3A_158 = tpu.vector_load %arg8[%get3A_156, %get3A_157] {strides = array<i32>} : memref<80x32xf32, #tpu.memory_space<vmem>>, vector<1x16xf32>,
      %get3A_159 = vector.shape_cast %get3A_158 : vector<1x16xf32> to vector<16xf32>
      %swap3A_160 = arith.index_cast %scan3A_146 : i32 to index
      %swap3A_161 = arith.constant 16 : index
      %swap3A_162 = tpu.vector_load %arg9[%swap3A_160, %swap3A_161] {strides = array<i32>} : memref<80x128xf32, #tpu.memory_space<vmem>>, vector<1x16xf32>,
      %swap3A_163 = vector.shape_cast %swap3A_162 : vector<1x16xf32> to vector<16xf32>
      %swap3A_164 = vector.shape_cast %get3A_159 : vector<16xf32> to vector<1x16xf32>
      tpu.vector_store %arg9[%swap3A_160, %swap3A_161], %swap3A_164 {strides = array<i32>} : memref<80x128xf32, #tpu.memory_space<vmem>>, vector<1x16xf32>,
      %scan3A_165 = arith.constant 7 : i32
      %scan3A_166 = arith.addi %scan3A_28, %scan3A_165 : i32
      %get3A_167 = arith.index_cast %scan3A_166 : i32 to index
      %get3A_168 = arith.constant 0 : index
      %get3A_169 = tpu.vector_load %arg8[%get3A_167, %get3A_168] {strides = array<i32>} : memref<80x32xf32, #tpu.memory_space<vmem>>, vector<1x16xf32>,
      %get3A_170 = vector.shape_cast %get3A_169 : vector<1x16xf32> to vector<16xf32>
      %swap3A_171 = arith.index_cast %scan3A_166 : i32 to index
      %swap3A_172 = arith.constant 0 : index
      %swap3A_173 = tpu.vector_load %arg9[%swap3A_171, %swap3A_172] {strides = array<i32>} : memref<80x128xf32, #tpu.memory_space<vmem>>, vector<1x16xf32>,
      %swap3A_174 = vector.shape_cast %swap3A_173 : vector<1x16xf32> to vector<16xf32>
      %swap3A_175 = vector.shape_cast %get3A_170 : vector<16xf32> to vector<1x16xf32>
      tpu.vector_store %arg9[%swap3A_171, %swap3A_172], %swap3A_175 {strides = array<i32>} : memref<80x128xf32, #tpu.memory_space<vmem>>, vector<1x16xf32>,
      %get3A_176 = arith.index_cast %scan3A_166 : i32 to index
      %get3A_177 = arith.constant 16 : index
      %get3A_178 = tpu.vector_load %arg8[%get3A_176, %get3A_177] {strides = array<i32>} : memref<80x32xf32, #tpu.memory_space<vmem>>, vector<1x16xf32>,
      %get3A_179 = vector.shape_cast %get3A_178 : vector<1x16xf32> to vector<16xf32>
      %swap3A_180 = arith.index_cast %scan3A_166 : i32 to index
      %swap3A_181 = arith.constant 16 : index
      %swap3A_182 = tpu.vector_load %arg9[%swap3A_180, %swap3A_181] {strides = array<i32>} : memref<80x128xf32, #tpu.memory_space<vmem>>, vector<1x16xf32>,
      %swap3A_183 = vector.shape_cast %swap3A_182 : vector<1x16xf32> to vector<16xf32>
      %swap3A_184 = vector.shape_cast %get3A_179 : vector<16xf32> to vector<1x16xf32>
      tpu.vector_store %arg9[%swap3A_180, %swap3A_181], %swap3A_184 {strides = array<i32>} : memref<80x128xf32, #tpu.memory_space<vmem>>, vector<1x16xf32>,
    }
    %scan3A_15 = arith.constant 80 : i32
    %run_scoped3A_16 = arith.constant 0 : i32
    "tpu.region"() ({
      %run_scoped3A_28 = tpu.sem_alloc : memref<!tpu.dma_semaphore, #tpu.memory_space<semaphore_mem>>
      %dma_start3A_29 = arith.constant 0 : i32
      %dma_start3A_30 = tpu.memref_slice %arg6[%run_scoped3A_16, %dma_start3A_29] : memref<125x80xi32, #tpu.memory_space<vmem>> -> memref<1x80xi32, #tpu.memory_space<vmem>>
      %dma_start3A_31 = tpu.memref_squeeze %dma_start3A_30 : memref<1x80xi32, #tpu.memory_space<vmem>> -> memref<80xi32, #tpu.memory_space<vmem>>
      %dma_start3A_32 = arith.constant 0 : i32
      %dma_start3A_33 = arith.constant 0 : i32
      %dma_start3A_34 = tpu.memref_slice %arg10[%dma_start3A_32, %dma_start3A_33] : memref<10240x128xf32, #tpu.memory_space<vmem_shared>> -> memref<10240x128xf32, #tpu.memory_space<vmem_shared>>
      tpu.enqueue_indirect_dma source(%arg9 : memref<80x128xf32, #tpu.memory_space<vmem>>) target(%dma_start3A_34 : memref<10240x128xf32, #tpu.memory_space<vmem_shared>>) offsets(%dma_start3A_31 : memref<80xi32, #tpu.memory_space<vmem>>) semaphore(%run_scoped3A_28 : memref<!tpu.dma_semaphore, #tpu.memory_space<semaphore_mem>>) {add = true}
      %dma_wait3A = arith.constant 0 : i32
      %dma_wait3A_35 = tpu.memref_slice %arg6[%run_scoped3A_16, %dma_wait3A] : memref<125x80xi32, #tpu.memory_space<vmem>> -> memref<1x80xi32, #tpu.memory_space<vmem>>
      %dma_wait3A_36 = tpu.memref_squeeze %dma_wait3A_35 : memref<1x80xi32, #tpu.memory_space<vmem>> -> memref<80xi32, #tpu.memory_space<vmem>>
      %dma_wait3A_37 = arith.constant 0 : i32
      %dma_wait3A_38 = arith.constant 0 : i32
      %dma_wait3A_39 = tpu.memref_slice %arg10[%dma_wait3A_37, %dma_wait3A_38] : memref<10240x128xf32, #tpu.memory_space<vmem_shared>> -> memref<10240x128xf32, #tpu.memory_space<vmem_shared>>
      tpu.wait_indirect_dma semaphore(%run_scoped3A_28 : memref<!tpu.dma_semaphore, #tpu.memory_space<semaphore_mem>>) src(%arg9 : memref<80x128xf32, #tpu.memory_space<vmem>>) dst(%dma_wait3A_39 : memref<10240x128xf32, #tpu.memory_space<vmem_shared>>)
      tpu.yield
    }) : () -> ()
    %scan3A_17 = arith.constant 0 : i32
    %scan3A_18 = arith.constant 0 : i32
    %scan3A_19 = arith.constant 62 : i32
    %scan3A_20 = arith.addi %scan3A_18, %scan3A_19 : i32
    %scan3A_21 = arith.constant 1 : i32
    scf.for %scan3A_28 = %scan3A_18 to %scan3A_20 step %scan3A_21  : i32 {
      %mul3A_29 = arith.constant 2 : i32
      %mul3A_30 = arith.muli %mul3A_29, %scan3A_28 : i32
      %add3A_31 = arith.constant 1 : i32
      %add3A_32 = arith.addi %mul3A_30, %add3A_31 : i32
      %add3A_33 = arith.constant 1 : i32
      %add3A_34 = arith.addi %add3A_32, %add3A_33 : i32
      %dma_start3A_35 = arith.constant 0 : i32
      %dma_start3A_36 = arith.constant 0 : i32
      %dma_start3A_37 = tpu.memref_slice %arg3[%add3A, %add3A_34, %dma_start3A_35, %dma_start3A_36] : memref<32x125x80x32xf32, #tpu.memory_space<hbm>> -> memref<1x1x80x32xf32, #tpu.memory_space<hbm>>
      %dma_start3A_38 = tpu.memref_squeeze %dma_start3A_37 : memref<1x1x80x32xf32, #tpu.memory_space<hbm>> -> memref<80x32xf32, #tpu.memory_space<hbm>>
      %dma_start3A_39 = arith.constant 0 : i32
      %dma_start3A_40 = arith.constant 0 : i32
      %dma_start3A_41 = tpu.memref_slice %arg3[%add3A, %add3A_34, %dma_start3A_39, %dma_start3A_40] : memref<32x125x80x32xf32, #tpu.memory_space<hbm>> -> memref<1x1x80x32xf32, #tpu.memory_space<hbm>>
      %dma_start3A_42 = tpu.memref_squeeze %dma_start3A_41 : memref<1x1x80x32xf32, #tpu.memory_space<hbm>> -> memref<80x32xf32, #tpu.memory_space<hbm>>
      tpu.enqueue_dma source(%dma_start3A_42 : memref<80x32xf32, #tpu.memory_space<hbm>>) target(%arg8 : memref<80x32xf32, #tpu.memory_space<vmem>>) target_semaphore(%arg12 : memref<!tpu.dma_semaphore, #tpu.memory_space<semaphore_mem>>)
      %dma_wait3A = arith.constant 0 : i32
      %dma_wait3A_43 = arith.constant 0 : i32
      %dma_wait3A_44 = tpu.memref_slice %arg3[%add3A, %add3A_32, %dma_wait3A, %dma_wait3A_43] : memref<32x125x80x32xf32, #tpu.memory_space<hbm>> -> memref<1x1x80x32xf32, #tpu.memory_space<hbm>>
      %dma_wait3A_45 = tpu.memref_squeeze %dma_wait3A_44 : memref<1x1x80x32xf32, #tpu.memory_space<hbm>> -> memref<80x32xf32, #tpu.memory_space<hbm>>
      %dma_wait3A_46 = arith.constant 0 : i32
      %dma_wait3A_47 = arith.constant 0 : i32
      %dma_wait3A_48 = tpu.memref_slice %arg3[%add3A, %add3A_32, %dma_wait3A_46, %dma_wait3A_47] : memref<32x125x80x32xf32, #tpu.memory_space<hbm>> -> memref<1x1x80x32xf32, #tpu.memory_space<hbm>>
      %dma_wait3A_49 = tpu.memref_squeeze %dma_wait3A_48 : memref<1x1x80x32xf32, #tpu.memory_space<hbm>> -> memref<80x32xf32, #tpu.memory_space<hbm>>
      tpu.wait_dma2 semaphore(%arg11 : memref<!tpu.dma_semaphore, #tpu.memory_space<semaphore_mem>>) src(%dma_wait3A_49 : memref<80x32xf32, #tpu.memory_space<hbm>>) dst(%arg7 : memref<80x32xf32, #tpu.memory_space<vmem>>)
      %scan3A_50 = arith.constant 0 : i32
      %scan3A_51 = arith.constant 0 : i32
      %scan3A_52 = arith.constant 80 : i32
      %scan3A_53 = arith.addi %scan3A_51, %scan3A_52 : i32
      %scan3A_54 = arith.constant 8 : i32
      scf.for %scan3A_78 = %scan3A_51 to %scan3A_53 step %scan3A_54  : i32 {
        %get3A = arith.index_cast %scan3A_78 : i32 to index
        %get3A_79 = arith.constant 0 : index
        %get3A_80 = tpu.vector_load %arg7[%get3A, %get3A_79] {strides = array<i32>} : memref<80x32xf32, #tpu.memory_space<vmem>>, vector<1x16xf32>,
        %get3A_81 = vector.shape_cast %get3A_80 : vector<1x16xf32> to vector<16xf32>
        %swap3A = arith.index_cast %scan3A_78 : i32 to index
        %swap3A_82 = arith.constant 0 : index
        %swap3A_83 = tpu.vector_load %arg9[%swap3A, %swap3A_82] {strides = array<i32>} : memref<80x128xf32, #tpu.memory_space<vmem>>, vector<1x16xf32>,
        %swap3A_84 = vector.shape_cast %swap3A_83 : vector<1x16xf32> to vector<16xf32>
        %swap3A_85 = vector.shape_cast %get3A_81 : vector<16xf32> to vector<1x16xf32>
        tpu.vector_store %arg9[%swap3A, %swap3A_82], %swap3A_85 {strides = array<i32>} : memref<80x128xf32, #tpu.memory_space<vmem>>, vector<1x16xf32>,
        %get3A_86 = arith.index_cast %scan3A_78 : i32 to index
        %get3A_87 = arith.constant 16 : index
        %get3A_88 = tpu.vector_load %arg7[%get3A_86, %get3A_87] {strides = array<i32>} : memref<80x32xf32, #tpu.memory_space<vmem>>, vector<1x16xf32>,
        %get3A_89 = vector.shape_cast %get3A_88 : vector<1x16xf32> to vector<16xf32>
        %swap3A_90 = arith.index_cast %scan3A_78 : i32 to index
        %swap3A_91 = arith.constant 16 : index
        %swap3A_92 = tpu.vector_load %arg9[%swap3A_90, %swap3A_91] {strides = array<i32>} : memref<80x128xf32, #tpu.memory_space<vmem>>, vector<1x16xf32>,
        %swap3A_93 = vector.shape_cast %swap3A_92 : vector<1x16xf32> to vector<16xf32>
        %swap3A_94 = vector.shape_cast %get3A_89 : vector<16xf32> to vector<1x16xf32>
        tpu.vector_store %arg9[%swap3A_90, %swap3A_91], %swap3A_94 {strides = array<i32>} : memref<80x128xf32, #tpu.memory_space<vmem>>, vector<1x16xf32>,
        %scan3A_95 = arith.constant 1 : i32
        %scan3A_96 = arith.addi %scan3A_78, %scan3A_95 : i32
        %get3A_97 = arith.index_cast %scan3A_96 : i32 to index
        %get3A_98 = arith.constant 0 : index
        %get3A_99 = tpu.vector_load %arg7[%get3A_97, %get3A_98] {strides = array<i32>} : memref<80x32xf32, #tpu.memory_space<vmem>>, vector<1x16xf32>,
        %get3A_100 = vector.shape_cast %get3A_99 : vector<1x16xf32> to vector<16xf32>
        %swap3A_101 = arith.index_cast %scan3A_96 : i32 to index
        %swap3A_102 = arith.constant 0 : index
        %swap3A_103 = tpu.vector_load %arg9[%swap3A_101, %swap3A_102] {strides = array<i32>} : memref<80x128xf32, #tpu.memory_space<vmem>>, vector<1x16xf32>,
        %swap3A_104 = vector.shape_cast %swap3A_103 : vector<1x16xf32> to vector<16xf32>
        %swap3A_105 = vector.shape_cast %get3A_100 : vector<16xf32> to vector<1x16xf32>
        tpu.vector_store %arg9[%swap3A_101, %swap3A_102], %swap3A_105 {strides = array<i32>} : memref<80x128xf32, #tpu.memory_space<vmem>>, vector<1x16xf32>,
        %get3A_106 = arith.index_cast %scan3A_96 : i32 to index
        %get3A_107 = arith.constant 16 : index
        %get3A_108 = tpu.vector_load %arg7[%get3A_106, %get3A_107] {strides = array<i32>} : memref<80x32xf32, #tpu.memory_space<vmem>>, vector<1x16xf32>,
        %get3A_109 = vector.shape_cast %get3A_108 : vector<1x16xf32> to vector<16xf32>
        %swap3A_110 = arith.index_cast %scan3A_96 : i32 to index
        %swap3A_111 = arith.constant 16 : index
        %swap3A_112 = tpu.vector_load %arg9[%swap3A_110, %swap3A_111] {strides = array<i32>} : memref<80x128xf32, #tpu.memory_space<vmem>>, vector<1x16xf32>,
        %swap3A_113 = vector.shape_cast %swap3A_112 : vector<1x16xf32> to vector<16xf32>
        %swap3A_114 = vector.shape_cast %get3A_109 : vector<16xf32> to vector<1x16xf32>
        tpu.vector_store %arg9[%swap3A_110, %swap3A_111], %swap3A_114 {strides = array<i32>} : memref<80x128xf32, #tpu.memory_space<vmem>>, vector<1x16xf32>,
        %scan3A_115 = arith.constant 2 : i32
        %scan3A_116 = arith.addi %scan3A_78, %scan3A_115 : i32
        %get3A_117 = arith.index_cast %scan3A_116 : i32 to index
        %get3A_118 = arith.constant 0 : index
        %get3A_119 = tpu.vector_load %arg7[%get3A_117, %get3A_118] {strides = array<i32>} : memref<80x32xf32, #tpu.memory_space<vmem>>, vector<1x16xf32>,
        %get3A_120 = vector.shape_cast %get3A_119 : vector<1x16xf32> to vector<16xf32>
        %swap3A_121 = arith.index_cast %scan3A_116 : i32 to index
        %swap3A_122 = arith.constant 0 : index
        %swap3A_123 = tpu.vector_load %arg9[%swap3A_121, %swap3A_122] {strides = array<i32>} : memref<80x128xf32, #tpu.memory_space<vmem>>, vector<1x16xf32>,
        %swap3A_124 = vector.shape_cast %swap3A_123 : vector<1x16xf32> to vector<16xf32>
        %swap3A_125 = vector.shape_cast %get3A_120 : vector<16xf32> to vector<1x16xf32>
        tpu.vector_store %arg9[%swap3A_121, %swap3A_122], %swap3A_125 {strides = array<i32>} : memref<80x128xf32, #tpu.memory_space<vmem>>, vector<1x16xf32>,
        %get3A_126 = arith.index_cast %scan3A_116 : i32 to index
        %get3A_127 = arith.constant 16 : index
        %get3A_128 = tpu.vector_load %arg7[%get3A_126, %get3A_127] {strides = array<i32>} : memref<80x32xf32, #tpu.memory_space<vmem>>, vector<1x16xf32>,
        %get3A_129 = vector.shape_cast %get3A_128 : vector<1x16xf32> to vector<16xf32>
        %swap3A_130 = arith.index_cast %scan3A_116 : i32 to index
        %swap3A_131 = arith.constant 16 : index
        %swap3A_132 = tpu.vector_load %arg9[%swap3A_130, %swap3A_131] {strides = array<i32>} : memref<80x128xf32, #tpu.memory_space<vmem>>, vector<1x16xf32>,
        %swap3A_133 = vector.shape_cast %swap3A_132 : vector<1x16xf32> to vector<16xf32>
        %swap3A_134 = vector.shape_cast %get3A_129 : vector<16xf32> to vector<1x16xf32>
        tpu.vector_store %arg9[%swap3A_130, %swap3A_131], %swap3A_134 {strides = array<i32>} : memref<80x128xf32, #tpu.memory_space<vmem>>, vector<1x16xf32>,
        %scan3A_135 = arith.constant 3 : i32
        %scan3A_136 = arith.addi %scan3A_78, %scan3A_135 : i32
        %get3A_137 = arith.index_cast %scan3A_136 : i32 to index
        %get3A_138 = arith.constant 0 : index
        %get3A_139 = tpu.vector_load %arg7[%get3A_137, %get3A_138] {strides = array<i32>} : memref<80x32xf32, #tpu.memory_space<vmem>>, vector<1x16xf32>,
        %get3A_140 = vector.shape_cast %get3A_139 : vector<1x16xf32> to vector<16xf32>
        %swap3A_141 = arith.index_cast %scan3A_136 : i32 to index
        %swap3A_142 = arith.constant 0 : index
        %swap3A_143 = tpu.vector_load %arg9[%swap3A_141, %swap3A_142] {strides = array<i32>} : memref<80x128xf32, #tpu.memory_space<vmem>>, vector<1x16xf32>,
        %swap3A_144 = vector.shape_cast %swap3A_143 : vector<1x16xf32> to vector<16xf32>
        %swap3A_145 = vector.shape_cast %get3A_140 : vector<16xf32> to vector<1x16xf32>
        tpu.vector_store %arg9[%swap3A_141, %swap3A_142], %swap3A_145 {strides = array<i32>} : memref<80x128xf32, #tpu.memory_space<vmem>>, vector<1x16xf32>,
        %get3A_146 = arith.index_cast %scan3A_136 : i32 to index
        %get3A_147 = arith.constant 16 : index
        %get3A_148 = tpu.vector_load %arg7[%get3A_146, %get3A_147] {strides = array<i32>} : memref<80x32xf32, #tpu.memory_space<vmem>>, vector<1x16xf32>,
        %get3A_149 = vector.shape_cast %get3A_148 : vector<1x16xf32> to vector<16xf32>
        %swap3A_150 = arith.index_cast %scan3A_136 : i32 to index
        %swap3A_151 = arith.constant 16 : index
        %swap3A_152 = tpu.vector_load %arg9[%swap3A_150, %swap3A_151] {strides = array<i32>} : memref<80x128xf32, #tpu.memory_space<vmem>>, vector<1x16xf32>,
        %swap3A_153 = vector.shape_cast %swap3A_152 : vector<1x16xf32> to vector<16xf32>
        %swap3A_154 = vector.shape_cast %get3A_149 : vector<16xf32> to vector<1x16xf32>
        tpu.vector_store %arg9[%swap3A_150, %swap3A_151], %swap3A_154 {strides = array<i32>} : memref<80x128xf32, #tpu.memory_space<vmem>>, vector<1x16xf32>,
        %scan3A_155 = arith.constant 4 : i32
        %scan3A_156 = arith.addi %scan3A_78, %scan3A_155 : i32
        %get3A_157 = arith.index_cast %scan3A_156 : i32 to index
        %get3A_158 = arith.constant 0 : index
        %get3A_159 = tpu.vector_load %arg7[%get3A_157, %get3A_158] {strides = array<i32>} : memref<80x32xf32, #tpu.memory_space<vmem>>, vector<1x16xf32>,
        %get3A_160 = vector.shape_cast %get3A_159 : vector<1x16xf32> to vector<16xf32>
        %swap3A_161 = arith.index_cast %scan3A_156 : i32 to index
        %swap3A_162 = arith.constant 0 : index
        %swap3A_163 = tpu.vector_load %arg9[%swap3A_161, %swap3A_162] {strides = array<i32>} : memref<80x128xf32, #tpu.memory_space<vmem>>, vector<1x16xf32>,
        %swap3A_164 = vector.shape_cast %swap3A_163 : vector<1x16xf32> to vector<16xf32>
        %swap3A_165 = vector.shape_cast %get3A_160 : vector<16xf32> to vector<1x16xf32>
        tpu.vector_store %arg9[%swap3A_161, %swap3A_162], %swap3A_165 {strides = array<i32>} : memref<80x128xf32, #tpu.memory_space<vmem>>, vector<1x16xf32>,
        %get3A_166 = arith.index_cast %scan3A_156 : i32 to index
        %get3A_167 = arith.constant 16 : index
        %get3A_168 = tpu.vector_load %arg7[%get3A_166, %get3A_167] {strides = array<i32>} : memref<80x32xf32, #tpu.memory_space<vmem>>, vector<1x16xf32>,
        %get3A_169 = vector.shape_cast %get3A_168 : vector<1x16xf32> to vector<16xf32>
        %swap3A_170 = arith.index_cast %scan3A_156 : i32 to index
        %swap3A_171 = arith.constant 16 : index
        %swap3A_172 = tpu.vector_load %arg9[%swap3A_170, %swap3A_171] {strides = array<i32>} : memref<80x128xf32, #tpu.memory_space<vmem>>, vector<1x16xf32>,
        %swap3A_173 = vector.shape_cast %swap3A_172 : vector<1x16xf32> to vector<16xf32>
        %swap3A_174 = vector.shape_cast %get3A_169 : vector<16xf32> to vector<1x16xf32>
        tpu.vector_store %arg9[%swap3A_170, %swap3A_171], %swap3A_174 {strides = array<i32>} : memref<80x128xf32, #tpu.memory_space<vmem>>, vector<1x16xf32>,
        %scan3A_175 = arith.constant 5 : i32
        %scan3A_176 = arith.addi %scan3A_78, %scan3A_175 : i32
        %get3A_177 = arith.index_cast %scan3A_176 : i32 to index
        %get3A_178 = arith.constant 0 : index
        %get3A_179 = tpu.vector_load %arg7[%get3A_177, %get3A_178] {strides = array<i32>} : memref<80x32xf32, #tpu.memory_space<vmem>>, vector<1x16xf32>,
        %get3A_180 = vector.shape_cast %get3A_179 : vector<1x16xf32> to vector<16xf32>
        %swap3A_181 = arith.index_cast %scan3A_176 : i32 to index
        %swap3A_182 = arith.constant 0 : index
        %swap3A_183 = tpu.vector_load %arg9[%swap3A_181, %swap3A_182] {strides = array<i32>} : memref<80x128xf32, #tpu.memory_space<vmem>>, vector<1x16xf32>,
        %swap3A_184 = vector.shape_cast %swap3A_183 : vector<1x16xf32> to vector<16xf32>
        %swap3A_185 = vector.shape_cast %get3A_180 : vector<16xf32> to vector<1x16xf32>
        tpu.vector_store %arg9[%swap3A_181, %swap3A_182], %swap3A_185 {strides = array<i32>} : memref<80x128xf32, #tpu.memory_space<vmem>>, vector<1x16xf32>,
        %get3A_186 = arith.index_cast %scan3A_176 : i32 to index
        %get3A_187 = arith.constant 16 : index
        %get3A_188 = tpu.vector_load %arg7[%get3A_186, %get3A_187] {strides = array<i32>} : memref<80x32xf32, #tpu.memory_space<vmem>>, vector<1x16xf32>,
        %get3A_189 = vector.shape_cast %get3A_188 : vector<1x16xf32> to vector<16xf32>
        %swap3A_190 = arith.index_cast %scan3A_176 : i32 to index
        %swap3A_191 = arith.constant 16 : index
        %swap3A_192 = tpu.vector_load %arg9[%swap3A_190, %swap3A_191] {strides = array<i32>} : memref<80x128xf32, #tpu.memory_space<vmem>>, vector<1x16xf32>,
        %swap3A_193 = vector.shape_cast %swap3A_192 : vector<1x16xf32> to vector<16xf32>
        %swap3A_194 = vector.shape_cast %get3A_189 : vector<16xf32> to vector<1x16xf32>
        tpu.vector_store %arg9[%swap3A_190, %swap3A_191], %swap3A_194 {strides = array<i32>} : memref<80x128xf32, #tpu.memory_space<vmem>>, vector<1x16xf32>,
        %scan3A_195 = arith.constant 6 : i32
        %scan3A_196 = arith.addi %scan3A_78, %scan3A_195 : i32
        %get3A_197 = arith.index_cast %scan3A_196 : i32 to index
        %get3A_198 = arith.constant 0 : index
        %get3A_199 = tpu.vector_load %arg7[%get3A_197, %get3A_198] {strides = array<i32>} : memref<80x32xf32, #tpu.memory_space<vmem>>, vector<1x16xf32>,
        %get3A_200 = vector.shape_cast %get3A_199 : vector<1x16xf32> to vector<16xf32>
        %swap3A_201 = arith.index_cast %scan3A_196 : i32 to index
        %swap3A_202 = arith.constant 0 : index
        %swap3A_203 = tpu.vector_load %arg9[%swap3A_201, %swap3A_202] {strides = array<i32>} : memref<80x128xf32, #tpu.memory_space<vmem>>, vector<1x16xf32>,
        %swap3A_204 = vector.shape_cast %swap3A_203 : vector<1x16xf32> to vector<16xf32>
        %swap3A_205 = vector.shape_cast %get3A_200 : vector<16xf32> to vector<1x16xf32>
        tpu.vector_store %arg9[%swap3A_201, %swap3A_202], %swap3A_205 {strides = array<i32>} : memref<80x128xf32, #tpu.memory_space<vmem>>, vector<1x16xf32>,
        %get3A_206 = arith.index_cast %scan3A_196 : i32 to index
        %get3A_207 = arith.constant 16 : index
        %get3A_208 = tpu.vector_load %arg7[%get3A_206, %get3A_207] {strides = array<i32>} : memref<80x32xf32, #tpu.memory_space<vmem>>, vector<1x16xf32>,
        %get3A_209 = vector.shape_cast %get3A_208 : vector<1x16xf32> to vector<16xf32>
        %swap3A_210 = arith.index_cast %scan3A_196 : i32 to index
        %swap3A_211 = arith.constant 16 : index
        %swap3A_212 = tpu.vector_load %arg9[%swap3A_210, %swap3A_211] {strides = array<i32>} : memref<80x128xf32, #tpu.memory_space<vmem>>, vector<1x16xf32>,
        %swap3A_213 = vector.shape_cast %swap3A_212 : vector<1x16xf32> to vector<16xf32>
        %swap3A_214 = vector.shape_cast %get3A_209 : vector<16xf32> to vector<1x16xf32>
        tpu.vector_store %arg9[%swap3A_210, %swap3A_211], %swap3A_214 {strides = array<i32>} : memref<80x128xf32, #tpu.memory_space<vmem>>, vector<1x16xf32>,
        %scan3A_215 = arith.constant 7 : i32
        %scan3A_216 = arith.addi %scan3A_78, %scan3A_215 : i32
        %get3A_217 = arith.index_cast %scan3A_216 : i32 to index
        %get3A_218 = arith.constant 0 : index
        %get3A_219 = tpu.vector_load %arg7[%get3A_217, %get3A_218] {strides = array<i32>} : memref<80x32xf32, #tpu.memory_space<vmem>>, vector<1x16xf32>,
        %get3A_220 = vector.shape_cast %get3A_219 : vector<1x16xf32> to vector<16xf32>
        %swap3A_221 = arith.index_cast %scan3A_216 : i32 to index
        %swap3A_222 = arith.constant 0 : index
        %swap3A_223 = tpu.vector_load %arg9[%swap3A_221, %swap3A_222] {strides = array<i32>} : memref<80x128xf32, #tpu.memory_space<vmem>>, vector<1x16xf32>,
        %swap3A_224 = vector.shape_cast %swap3A_223 : vector<1x16xf32> to vector<16xf32>
        %swap3A_225 = vector.shape_cast %get3A_220 : vector<16xf32> to vector<1x16xf32>
        tpu.vector_store %arg9[%swap3A_221, %swap3A_222], %swap3A_225 {strides = array<i32>} : memref<80x128xf32, #tpu.memory_space<vmem>>, vector<1x16xf32>,
        %get3A_226 = arith.index_cast %scan3A_216 : i32 to index
        %get3A_227 = arith.constant 16 : index
        %get3A_228 = tpu.vector_load %arg7[%get3A_226, %get3A_227] {strides = array<i32>} : memref<80x32xf32, #tpu.memory_space<vmem>>, vector<1x16xf32>,
        %get3A_229 = vector.shape_cast %get3A_228 : vector<1x16xf32> to vector<16xf32>
        %swap3A_230 = arith.index_cast %scan3A_216 : i32 to index
        %swap3A_231 = arith.constant 16 : index
        %swap3A_232 = tpu.vector_load %arg9[%swap3A_230, %swap3A_231] {strides = array<i32>} : memref<80x128xf32, #tpu.memory_space<vmem>>, vector<1x16xf32>,
        %swap3A_233 = vector.shape_cast %swap3A_232 : vector<1x16xf32> to vector<16xf32>
        %swap3A_234 = vector.shape_cast %get3A_229 : vector<16xf32> to vector<1x16xf32>
        tpu.vector_store %arg9[%swap3A_230, %swap3A_231], %swap3A_234 {strides = array<i32>} : memref<80x128xf32, #tpu.memory_space<vmem>>, vector<1x16xf32>,
      }
      %scan3A_55 = arith.constant 80 : i32
      "tpu.region"() ({
        %run_scoped3A_78 = tpu.sem_alloc : memref<!tpu.dma_semaphore, #tpu.memory_space<semaphore_mem>>
        %dma_start3A_79 = arith.constant 0 : i32
        %dma_start3A_80 = tpu.memref_slice %arg6[%add3A_32, %dma_start3A_79] : memref<125x80xi32, #tpu.memory_space<vmem>> -> memref<1x80xi32, #tpu.memory_space<vmem>>
        %dma_start3A_81 = tpu.memref_squeeze %dma_start3A_80 : memref<1x80xi32, #tpu.memory_space<vmem>> -> memref<80xi32, #tpu.memory_space<vmem>>
        %dma_start3A_82 = arith.constant 0 : i32
        %dma_start3A_83 = arith.constant 0 : i32
        %dma_start3A_84 = tpu.memref_slice %arg10[%dma_start3A_82, %dma_start3A_83] : memref<10240x128xf32, #tpu.memory_space<vmem_shared>> -> memref<10240x128xf32, #tpu.memory_space<vmem_shared>>
        tpu.enqueue_indirect_dma source(%arg9 : memref<80x128xf32, #tpu.memory_space<vmem>>) target(%dma_start3A_84 : memref<10240x128xf32, #tpu.memory_space<vmem_shared>>) offsets(%dma_start3A_81 : memref<80xi32, #tpu.memory_space<vmem>>) semaphore(%run_scoped3A_78 : memref<!tpu.dma_semaphore, #tpu.memory_space<semaphore_mem>>) {add = true}
        %dma_wait3A_85 = arith.constant 0 : i32
        %dma_wait3A_86 = tpu.memref_slice %arg6[%add3A_32, %dma_wait3A_85] : memref<125x80xi32, #tpu.memory_space<vmem>> -> memref<1x80xi32, #tpu.memory_space<vmem>>
        %dma_wait3A_87 = tpu.memref_squeeze %dma_wait3A_86 : memref<1x80xi32, #tpu.memory_space<vmem>> -> memref<80xi32, #tpu.memory_space<vmem>>
        %dma_wait3A_88 = arith.constant 0 : i32
        %dma_wait3A_89 = arith.constant 0 : i32
        %dma_wait3A_90 = tpu.memref_slice %arg10[%dma_wait3A_88, %dma_wait3A_89] : memref<10240x128xf32, #tpu.memory_space<vmem_shared>> -> memref<10240x128xf32, #tpu.memory_space<vmem_shared>>
        tpu.wait_indirect_dma semaphore(%run_scoped3A_78 : memref<!tpu.dma_semaphore, #tpu.memory_space<semaphore_mem>>) src(%arg9 : memref<80x128xf32, #tpu.memory_space<vmem>>) dst(%dma_wait3A_90 : memref<10240x128xf32, #tpu.memory_space<vmem_shared>>)
        tpu.yield
      }) : () -> ()
      %add3A_56 = arith.constant 1 : i32
      %add3A_57 = arith.addi %scan3A_28, %add3A_56 : i32
      %lt3A = arith.constant 62 : i32
      %lt3A_58 = arith.cmpi slt, %add3A_57, %lt3A : i32
      %convert_element_type3A = arith.extui %lt3A_58 : i1 to i32
      %cond3A = arith.constant 0 : i32
      %cond3A_59 = arith.cmpi ne, %convert_element_type3A, %cond3A : i32
      scf.if %cond3A_59 {
        %add3A_78 = arith.constant 2 : i32
        %add3A_79 = arith.addi %add3A_32, %add3A_78 : i32
        %dma_start3A_80 = arith.constant 0 : i32
        %dma_start3A_81 = arith.constant 0 : i32
        %dma_start3A_82 = tpu.memref_slice %arg3[%add3A, %add3A_79, %dma_start3A_80, %dma_start3A_81] : memref<32x125x80x32xf32, #tpu.memory_space<hbm>> -> memref<1x1x80x32xf32, #tpu.memory_space<hbm>>
        %dma_start3A_83 = tpu.memref_squeeze %dma_start3A_82 : memref<1x1x80x32xf32, #tpu.memory_space<hbm>> -> memref<80x32xf32, #tpu.memory_space<hbm>>
        %dma_start3A_84 = arith.constant 0 : i32
        %dma_start3A_85 = arith.constant 0 : i32
        %dma_start3A_86 = tpu.memref_slice %arg3[%add3A, %add3A_79, %dma_start3A_84, %dma_start3A_85] : memref<32x125x80x32xf32, #tpu.memory_space<hbm>> -> memref<1x1x80x32xf32, #tpu.memory_space<hbm>>
        %dma_start3A_87 = tpu.memref_squeeze %dma_start3A_86 : memref<1x1x80x32xf32, #tpu.memory_space<hbm>> -> memref<80x32xf32, #tpu.memory_space<hbm>>
        tpu.enqueue_dma source(%dma_start3A_87 : memref<80x32xf32, #tpu.memory_space<hbm>>) target(%arg7 : memref<80x32xf32, #tpu.memory_space<vmem>>) target_semaphore(%arg11 : memref<!tpu.dma_semaphore, #tpu.memory_space<semaphore_mem>>)
      } else {
      }
      %add3A_60 = arith.constant 1 : i32
      %add3A_61 = arith.addi %add3A_32, %add3A_60 : i32
      %dma_wait3A_62 = arith.constant 0 : i32
      %dma_wait3A_63 = arith.constant 0 : i32
      %dma_wait3A_64 = tpu.memref_slice %arg3[%add3A, %add3A_61, %dma_wait3A_62, %dma_wait3A_63] : memref<32x125x80x32xf32, #tpu.memory_space<hbm>> -> memref<1x1x80x32xf32, #tpu.memory_space<hbm>>
      %dma_wait3A_65 = tpu.memref_squeeze %dma_wait3A_64 : memref<1x1x80x32xf32, #tpu.memory_space<hbm>> -> memref<80x32xf32, #tpu.memory_space<hbm>>
      %dma_wait3A_66 = arith.constant 0 : i32
      %dma_wait3A_67 = arith.constant 0 : i32
      %dma_wait3A_68 = tpu.memref_slice %arg3[%add3A, %add3A_61, %dma_wait3A_66, %dma_wait3A_67] : memref<32x125x80x32xf32, #tpu.memory_space<hbm>> -> memref<1x1x80x32xf32, #tpu.memory_space<hbm>>
      %dma_wait3A_69 = tpu.memref_squeeze %dma_wait3A_68 : memref<1x1x80x32xf32, #tpu.memory_space<hbm>> -> memref<80x32xf32, #tpu.memory_space<hbm>>
      tpu.wait_dma2 semaphore(%arg12 : memref<!tpu.dma_semaphore, #tpu.memory_space<semaphore_mem>>) src(%dma_wait3A_69 : memref<80x32xf32, #tpu.memory_space<hbm>>) dst(%arg8 : memref<80x32xf32, #tpu.memory_space<vmem>>)
      %add3A_70 = arith.constant 1 : i32
      %add3A_71 = arith.addi %add3A_32, %add3A_70 : i32
      %scan3A_72 = arith.constant 0 : i32
      %scan3A_73 = arith.constant 0 : i32
      %scan3A_74 = arith.constant 80 : i32
      %scan3A_75 = arith.addi %scan3A_73, %scan3A_74 : i32
      %scan3A_76 = arith.constant 8 : i32
      scf.for %scan3A_78 = %scan3A_73 to %scan3A_75 step %scan3A_76  : i32 {
        %get3A = arith.index_cast %scan3A_78 : i32 to index
        %get3A_79 = arith.constant 0 : index
        %get3A_80 = tpu.vector_load %arg8[%get3A, %get3A_79] {strides = array<i32>} : memref<80x32xf32, #tpu.memory_space<vmem>>, vector<1x16xf32>,
        %get3A_81 = vector.shape_cast %get3A_80 : vector<1x16xf32> to vector<16xf32>
        %swap3A = arith.index_cast %scan3A_78 : i32 to index
        %swap3A_82 = arith.constant 0 : index
        %swap3A_83 = tpu.vector_load %arg9[%swap3A, %swap3A_82] {strides = array<i32>} : memref<80x128xf32, #tpu.memory_space<vmem>>, vector<1x16xf32>,
        %swap3A_84 = vector.shape_cast %swap3A_83 : vector<1x16xf32> to vector<16xf32>
        %swap3A_85 = vector.shape_cast %get3A_81 : vector<16xf32> to vector<1x16xf32>
        tpu.vector_store %arg9[%swap3A, %swap3A_82], %swap3A_85 {strides = array<i32>} : memref<80x128xf32, #tpu.memory_space<vmem>>, vector<1x16xf32>,
        %get3A_86 = arith.index_cast %scan3A_78 : i32 to index
        %get3A_87 = arith.constant 16 : index
        %get3A_88 = tpu.vector_load %arg8[%get3A_86, %get3A_87] {strides = array<i32>} : memref<80x32xf32, #tpu.memory_space<vmem>>, vector<1x16xf32>,
        %get3A_89 = vector.shape_cast %get3A_88 : vector<1x16xf32> to vector<16xf32>
        %swap3A_90 = arith.index_cast %scan3A_78 : i32 to index
        %swap3A_91 = arith.constant 16 : index
        %swap3A_92 = tpu.vector_load %arg9[%swap3A_90, %swap3A_91] {strides = array<i32>} : memref<80x128xf32, #tpu.memory_space<vmem>>, vector<1x16xf32>,
        %swap3A_93 = vector.shape_cast %swap3A_92 : vector<1x16xf32> to vector<16xf32>
        %swap3A_94 = vector.shape_cast %get3A_89 : vector<16xf32> to vector<1x16xf32>
        tpu.vector_store %arg9[%swap3A_90, %swap3A_91], %swap3A_94 {strides = array<i32>} : memref<80x128xf32, #tpu.memory_space<vmem>>, vector<1x16xf32>,
        %scan3A_95 = arith.constant 1 : i32
        %scan3A_96 = arith.addi %scan3A_78, %scan3A_95 : i32
        %get3A_97 = arith.index_cast %scan3A_96 : i32 to index
        %get3A_98 = arith.constant 0 : index
        %get3A_99 = tpu.vector_load %arg8[%get3A_97, %get3A_98] {strides = array<i32>} : memref<80x32xf32, #tpu.memory_space<vmem>>, vector<1x16xf32>,
        %get3A_100 = vector.shape_cast %get3A_99 : vector<1x16xf32> to vector<16xf32>
        %swap3A_101 = arith.index_cast %scan3A_96 : i32 to index
        %swap3A_102 = arith.constant 0 : index
        %swap3A_103 = tpu.vector_load %arg9[%swap3A_101, %swap3A_102] {strides = array<i32>} : memref<80x128xf32, #tpu.memory_space<vmem>>, vector<1x16xf32>,
        %swap3A_104 = vector.shape_cast %swap3A_103 : vector<1x16xf32> to vector<16xf32>
        %swap3A_105 = vector.shape_cast %get3A_100 : vector<16xf32> to vector<1x16xf32>
        tpu.vector_store %arg9[%swap3A_101, %swap3A_102], %swap3A_105 {strides = array<i32>} : memref<80x128xf32, #tpu.memory_space<vmem>>, vector<1x16xf32>,
        %get3A_106 = arith.index_cast %scan3A_96 : i32 to index
        %get3A_107 = arith.constant 16 : index
        %get3A_108 = tpu.vector_load %arg8[%get3A_106, %get3A_107] {strides = array<i32>} : memref<80x32xf32, #tpu.memory_space<vmem>>, vector<1x16xf32>,
        %get3A_109 = vector.shape_cast %get3A_108 : vector<1x16xf32> to vector<16xf32>
        %swap3A_110 = arith.index_cast %scan3A_96 : i32 to index
        %swap3A_111 = arith.constant 16 : index
        %swap3A_112 = tpu.vector_load %arg9[%swap3A_110, %swap3A_111] {strides = array<i32>} : memref<80x128xf32, #tpu.memory_space<vmem>>, vector<1x16xf32>,
        %swap3A_113 = vector.shape_cast %swap3A_112 : vector<1x16xf32> to vector<16xf32>
        %swap3A_114 = vector.shape_cast %get3A_109 : vector<16xf32> to vector<1x16xf32>
        tpu.vector_store %arg9[%swap3A_110, %swap3A_111], %swap3A_114 {strides = array<i32>} : memref<80x128xf32, #tpu.memory_space<vmem>>, vector<1x16xf32>,
        %scan3A_115 = arith.constant 2 : i32
        %scan3A_116 = arith.addi %scan3A_78, %scan3A_115 : i32
        %get3A_117 = arith.index_cast %scan3A_116 : i32 to index
        %get3A_118 = arith.constant 0 : index
        %get3A_119 = tpu.vector_load %arg8[%get3A_117, %get3A_118] {strides = array<i32>} : memref<80x32xf32, #tpu.memory_space<vmem>>, vector<1x16xf32>,
        %get3A_120 = vector.shape_cast %get3A_119 : vector<1x16xf32> to vector<16xf32>
        %swap3A_121 = arith.index_cast %scan3A_116 : i32 to index
        %swap3A_122 = arith.constant 0 : index
        %swap3A_123 = tpu.vector_load %arg9[%swap3A_121, %swap3A_122] {strides = array<i32>} : memref<80x128xf32, #tpu.memory_space<vmem>>, vector<1x16xf32>,
        %swap3A_124 = vector.shape_cast %swap3A_123 : vector<1x16xf32> to vector<16xf32>
        %swap3A_125 = vector.shape_cast %get3A_120 : vector<16xf32> to vector<1x16xf32>
        tpu.vector_store %arg9[%swap3A_121, %swap3A_122], %swap3A_125 {strides = array<i32>} : memref<80x128xf32, #tpu.memory_space<vmem>>, vector<1x16xf32>,
        %get3A_126 = arith.index_cast %scan3A_116 : i32 to index
        %get3A_127 = arith.constant 16 : index
        %get3A_128 = tpu.vector_load %arg8[%get3A_126, %get3A_127] {strides = array<i32>} : memref<80x32xf32, #tpu.memory_space<vmem>>, vector<1x16xf32>,
        %get3A_129 = vector.shape_cast %get3A_128 : vector<1x16xf32> to vector<16xf32>
        %swap3A_130 = arith.index_cast %scan3A_116 : i32 to index
        %swap3A_131 = arith.constant 16 : index
        %swap3A_132 = tpu.vector_load %arg9[%swap3A_130, %swap3A_131] {strides = array<i32>} : memref<80x128xf32, #tpu.memory_space<vmem>>, vector<1x16xf32>,
        %swap3A_133 = vector.shape_cast %swap3A_132 : vector<1x16xf32> to vector<16xf32>
        %swap3A_134 = vector.shape_cast %get3A_129 : vector<16xf32> to vector<1x16xf32>
        tpu.vector_store %arg9[%swap3A_130, %swap3A_131], %swap3A_134 {strides = array<i32>} : memref<80x128xf32, #tpu.memory_space<vmem>>, vector<1x16xf32>,
        %scan3A_135 = arith.constant 3 : i32
        %scan3A_136 = arith.addi %scan3A_78, %scan3A_135 : i32
        %get3A_137 = arith.index_cast %scan3A_136 : i32 to index
        %get3A_138 = arith.constant 0 : index
        %get3A_139 = tpu.vector_load %arg8[%get3A_137, %get3A_138] {strides = array<i32>} : memref<80x32xf32, #tpu.memory_space<vmem>>, vector<1x16xf32>,
        %get3A_140 = vector.shape_cast %get3A_139 : vector<1x16xf32> to vector<16xf32>
        %swap3A_141 = arith.index_cast %scan3A_136 : i32 to index
        %swap3A_142 = arith.constant 0 : index
        %swap3A_143 = tpu.vector_load %arg9[%swap3A_141, %swap3A_142] {strides = array<i32>} : memref<80x128xf32, #tpu.memory_space<vmem>>, vector<1x16xf32>,
        %swap3A_144 = vector.shape_cast %swap3A_143 : vector<1x16xf32> to vector<16xf32>
        %swap3A_145 = vector.shape_cast %get3A_140 : vector<16xf32> to vector<1x16xf32>
        tpu.vector_store %arg9[%swap3A_141, %swap3A_142], %swap3A_145 {strides = array<i32>} : memref<80x128xf32, #tpu.memory_space<vmem>>, vector<1x16xf32>,
        %get3A_146 = arith.index_cast %scan3A_136 : i32 to index
        %get3A_147 = arith.constant 16 : index
        %get3A_148 = tpu.vector_load %arg8[%get3A_146, %get3A_147] {strides = array<i32>} : memref<80x32xf32, #tpu.memory_space<vmem>>, vector<1x16xf32>,
        %get3A_149 = vector.shape_cast %get3A_148 : vector<1x16xf32> to vector<16xf32>
        %swap3A_150 = arith.index_cast %scan3A_136 : i32 to index
        %swap3A_151 = arith.constant 16 : index
        %swap3A_152 = tpu.vector_load %arg9[%swap3A_150, %swap3A_151] {strides = array<i32>} : memref<80x128xf32, #tpu.memory_space<vmem>>, vector<1x16xf32>,
        %swap3A_153 = vector.shape_cast %swap3A_152 : vector<1x16xf32> to vector<16xf32>
        %swap3A_154 = vector.shape_cast %get3A_149 : vector<16xf32> to vector<1x16xf32>
        tpu.vector_store %arg9[%swap3A_150, %swap3A_151], %swap3A_154 {strides = array<i32>} : memref<80x128xf32, #tpu.memory_space<vmem>>, vector<1x16xf32>,
        %scan3A_155 = arith.constant 4 : i32
        %scan3A_156 = arith.addi %scan3A_78, %scan3A_155 : i32
        %get3A_157 = arith.index_cast %scan3A_156 : i32 to index
        %get3A_158 = arith.constant 0 : index
        %get3A_159 = tpu.vector_load %arg8[%get3A_157, %get3A_158] {strides = array<i32>} : memref<80x32xf32, #tpu.memory_space<vmem>>, vector<1x16xf32>,
        %get3A_160 = vector.shape_cast %get3A_159 : vector<1x16xf32> to vector<16xf32>
        %swap3A_161 = arith.index_cast %scan3A_156 : i32 to index
        %swap3A_162 = arith.constant 0 : index
        %swap3A_163 = tpu.vector_load %arg9[%swap3A_161, %swap3A_162] {strides = array<i32>} : memref<80x128xf32, #tpu.memory_space<vmem>>, vector<1x16xf32>,
        %swap3A_164 = vector.shape_cast %swap3A_163 : vector<1x16xf32> to vector<16xf32>
        %swap3A_165 = vector.shape_cast %get3A_160 : vector<16xf32> to vector<1x16xf32>
        tpu.vector_store %arg9[%swap3A_161, %swap3A_162], %swap3A_165 {strides = array<i32>} : memref<80x128xf32, #tpu.memory_space<vmem>>, vector<1x16xf32>,
        %get3A_166 = arith.index_cast %scan3A_156 : i32 to index
        %get3A_167 = arith.constant 16 : index
        %get3A_168 = tpu.vector_load %arg8[%get3A_166, %get3A_167] {strides = array<i32>} : memref<80x32xf32, #tpu.memory_space<vmem>>, vector<1x16xf32>,
        %get3A_169 = vector.shape_cast %get3A_168 : vector<1x16xf32> to vector<16xf32>
        %swap3A_170 = arith.index_cast %scan3A_156 : i32 to index
        %swap3A_171 = arith.constant 16 : index
        %swap3A_172 = tpu.vector_load %arg9[%swap3A_170, %swap3A_171] {strides = array<i32>} : memref<80x128xf32, #tpu.memory_space<vmem>>, vector<1x16xf32>,
        %swap3A_173 = vector.shape_cast %swap3A_172 : vector<1x16xf32> to vector<16xf32>
        %swap3A_174 = vector.shape_cast %get3A_169 : vector<16xf32> to vector<1x16xf32>
        tpu.vector_store %arg9[%swap3A_170, %swap3A_171], %swap3A_174 {strides = array<i32>} : memref<80x128xf32, #tpu.memory_space<vmem>>, vector<1x16xf32>,
        %scan3A_175 = arith.constant 5 : i32
        %scan3A_176 = arith.addi %scan3A_78, %scan3A_175 : i32
        %get3A_177 = arith.index_cast %scan3A_176 : i32 to index
        %get3A_178 = arith.constant 0 : index
        %get3A_179 = tpu.vector_load %arg8[%get3A_177, %get3A_178] {strides = array<i32>} : memref<80x32xf32, #tpu.memory_space<vmem>>, vector<1x16xf32>,
        %get3A_180 = vector.shape_cast %get3A_179 : vector<1x16xf32> to vector<16xf32>
        %swap3A_181 = arith.index_cast %scan3A_176 : i32 to index
        %swap3A_182 = arith.constant 0 : index
        %swap3A_183 = tpu.vector_load %arg9[%swap3A_181, %swap3A_182] {strides = array<i32>} : memref<80x128xf32, #tpu.memory_space<vmem>>, vector<1x16xf32>,
        %swap3A_184 = vector.shape_cast %swap3A_183 : vector<1x16xf32> to vector<16xf32>
        %swap3A_185 = vector.shape_cast %get3A_180 : vector<16xf32> to vector<1x16xf32>
        tpu.vector_store %arg9[%swap3A_181, %swap3A_182], %swap3A_185 {strides = array<i32>} : memref<80x128xf32, #tpu.memory_space<vmem>>, vector<1x16xf32>,
        %get3A_186 = arith.index_cast %scan3A_176 : i32 to index
        %get3A_187 = arith.constant 16 : index
        %get3A_188 = tpu.vector_load %arg8[%get3A_186, %get3A_187] {strides = array<i32>} : memref<80x32xf32, #tpu.memory_space<vmem>>, vector<1x16xf32>,
        %get3A_189 = vector.shape_cast %get3A_188 : vector<1x16xf32> to vector<16xf32>
        %swap3A_190 = arith.index_cast %scan3A_176 : i32 to index
        %swap3A_191 = arith.constant 16 : index
        %swap3A_192 = tpu.vector_load %arg9[%swap3A_190, %swap3A_191] {strides = array<i32>} : memref<80x128xf32, #tpu.memory_space<vmem>>, vector<1x16xf32>,
        %swap3A_193 = vector.shape_cast %swap3A_192 : vector<1x16xf32> to vector<16xf32>
        %swap3A_194 = vector.shape_cast %get3A_189 : vector<16xf32> to vector<1x16xf32>
        tpu.vector_store %arg9[%swap3A_190, %swap3A_191], %swap3A_194 {strides = array<i32>} : memref<80x128xf32, #tpu.memory_space<vmem>>, vector<1x16xf32>,
        %scan3A_195 = arith.constant 6 : i32
        %scan3A_196 = arith.addi %scan3A_78, %scan3A_195 : i32
        %get3A_197 = arith.index_cast %scan3A_196 : i32 to index
        %get3A_198 = arith.constant 0 : index
        %get3A_199 = tpu.vector_load %arg8[%get3A_197, %get3A_198] {strides = array<i32>} : memref<80x32xf32, #tpu.memory_space<vmem>>, vector<1x16xf32>,
        %get3A_200 = vector.shape_cast %get3A_199 : vector<1x16xf32> to vector<16xf32>
        %swap3A_201 = arith.index_cast %scan3A_196 : i32 to index
        %swap3A_202 = arith.constant 0 : index
        %swap3A_203 = tpu.vector_load %arg9[%swap3A_201, %swap3A_202] {strides = array<i32>} : memref<80x128xf32, #tpu.memory_space<vmem>>, vector<1x16xf32>,
        %swap3A_204 = vector.shape_cast %swap3A_203 : vector<1x16xf32> to vector<16xf32>
        %swap3A_205 = vector.shape_cast %get3A_200 : vector<16xf32> to vector<1x16xf32>
        tpu.vector_store %arg9[%swap3A_201, %swap3A_202], %swap3A_205 {strides = array<i32>} : memref<80x128xf32, #tpu.memory_space<vmem>>, vector<1x16xf32>,
        %get3A_206 = arith.index_cast %scan3A_196 : i32 to index
        %get3A_207 = arith.constant 16 : index
        %get3A_208 = tpu.vector_load %arg8[%get3A_206, %get3A_207] {strides = array<i32>} : memref<80x32xf32, #tpu.memory_space<vmem>>, vector<1x16xf32>,
        %get3A_209 = vector.shape_cast %get3A_208 : vector<1x16xf32> to vector<16xf32>
        %swap3A_210 = arith.index_cast %scan3A_196 : i32 to index
        %swap3A_211 = arith.constant 16 : index
        %swap3A_212 = tpu.vector_load %arg9[%swap3A_210, %swap3A_211] {strides = array<i32>} : memref<80x128xf32, #tpu.memory_space<vmem>>, vector<1x16xf32>,
        %swap3A_213 = vector.shape_cast %swap3A_212 : vector<1x16xf32> to vector<16xf32>
        %swap3A_214 = vector.shape_cast %get3A_209 : vector<16xf32> to vector<1x16xf32>
        tpu.vector_store %arg9[%swap3A_210, %swap3A_211], %swap3A_214 {strides = array<i32>} : memref<80x128xf32, #tpu.memory_space<vmem>>, vector<1x16xf32>,
        %scan3A_215 = arith.constant 7 : i32
        %scan3A_216 = arith.addi %scan3A_78, %scan3A_215 : i32
        %get3A_217 = arith.index_cast %scan3A_216 : i32 to index
        %get3A_218 = arith.constant 0 : index
        %get3A_219 = tpu.vector_load %arg8[%get3A_217, %get3A_218] {strides = array<i32>} : memref<80x32xf32, #tpu.memory_space<vmem>>, vector<1x16xf32>,
        %get3A_220 = vector.shape_cast %get3A_219 : vector<1x16xf32> to vector<16xf32>
        %swap3A_221 = arith.index_cast %scan3A_216 : i32 to index
        %swap3A_222 = arith.constant 0 : index
        %swap3A_223 = tpu.vector_load %arg9[%swap3A_221, %swap3A_222] {strides = array<i32>} : memref<80x128xf32, #tpu.memory_space<vmem>>, vector<1x16xf32>,
        %swap3A_224 = vector.shape_cast %swap3A_223 : vector<1x16xf32> to vector<16xf32>
        %swap3A_225 = vector.shape_cast %get3A_220 : vector<16xf32> to vector<1x16xf32>
        tpu.vector_store %arg9[%swap3A_221, %swap3A_222], %swap3A_225 {strides = array<i32>} : memref<80x128xf32, #tpu.memory_space<vmem>>, vector<1x16xf32>,
        %get3A_226 = arith.index_cast %scan3A_216 : i32 to index
        %get3A_227 = arith.constant 16 : index
        %get3A_228 = tpu.vector_load %arg8[%get3A_226, %get3A_227] {strides = array<i32>} : memref<80x32xf32, #tpu.memory_space<vmem>>, vector<1x16xf32>,
        %get3A_229 = vector.shape_cast %get3A_228 : vector<1x16xf32> to vector<16xf32>
        %swap3A_230 = arith.index_cast %scan3A_216 : i32 to index
        %swap3A_231 = arith.constant 16 : index
        %swap3A_232 = tpu.vector_load %arg9[%swap3A_230, %swap3A_231] {strides = array<i32>} : memref<80x128xf32, #tpu.memory_space<vmem>>, vector<1x16xf32>,
        %swap3A_233 = vector.shape_cast %swap3A_232 : vector<1x16xf32> to vector<16xf32>
        %swap3A_234 = vector.shape_cast %get3A_229 : vector<16xf32> to vector<1x16xf32>
        tpu.vector_store %arg9[%swap3A_230, %swap3A_231], %swap3A_234 {strides = array<i32>} : memref<80x128xf32, #tpu.memory_space<vmem>>, vector<1x16xf32>,
      }
      %scan3A_77 = arith.constant 80 : i32
      "tpu.region"() ({
        %run_scoped3A_78 = tpu.sem_alloc : memref<!tpu.dma_semaphore, #tpu.memory_space<semaphore_mem>>
        %dma_start3A_79 = arith.constant 0 : i32
        %dma_start3A_80 = tpu.memref_slice %arg6[%add3A_71, %dma_start3A_79] : memref<125x80xi32, #tpu.memory_space<vmem>> -> memref<1x80xi32, #tpu.memory_space<vmem>>
        %dma_start3A_81 = tpu.memref_squeeze %dma_start3A_80 : memref<1x80xi32, #tpu.memory_space<vmem>> -> memref<80xi32, #tpu.memory_space<vmem>>
        %dma_start3A_82 = arith.constant 0 : i32
        %dma_start3A_83 = arith.constant 0 : i32
        %dma_start3A_84 = tpu.memref_slice %arg10[%dma_start3A_82, %dma_start3A_83] : memref<10240x128xf32, #tpu.memory_space<vmem_shared>> -> memref<10240x128xf32, #tpu.memory_space<vmem_shared>>
        tpu.enqueue_indirect_dma source(%arg9 : memref<80x128xf32, #tpu.memory_space<vmem>>) target(%dma_start3A_84 : memref<10240x128xf32, #tpu.memory_space<vmem_shared>>) offsets(%dma_start3A_81 : memref<80xi32, #tpu.memory_space<vmem>>) semaphore(%run_scoped3A_78 : memref<!tpu.dma_semaphore, #tpu.memory_space<semaphore_mem>>) {add = true}
        %dma_wait3A_85 = arith.constant 0 : i32
        %dma_wait3A_86 = tpu.memref_slice %arg6[%add3A_71, %dma_wait3A_85] : memref<125x80xi32, #tpu.memory_space<vmem>> -> memref<1x80xi32, #tpu.memory_space<vmem>>
        %dma_wait3A_87 = tpu.memref_squeeze %dma_wait3A_86 : memref<1x80xi32, #tpu.memory_space<vmem>> -> memref<80xi32, #tpu.memory_space<vmem>>
        %dma_wait3A_88 = arith.constant 0 : i32
        %dma_wait3A_89 = arith.constant 0 : i32
        %dma_wait3A_90 = tpu.memref_slice %arg10[%dma_wait3A_88, %dma_wait3A_89] : memref<10240x128xf32, #tpu.memory_space<vmem_shared>> -> memref<10240x128xf32, #tpu.memory_space<vmem_shared>>
        tpu.wait_indirect_dma semaphore(%run_scoped3A_78 : memref<!tpu.dma_semaphore, #tpu.memory_space<semaphore_mem>>) src(%arg9 : memref<80x128xf32, #tpu.memory_space<vmem>>) dst(%dma_wait3A_90 : memref<10240x128xf32, #tpu.memory_space<vmem_shared>>)
        tpu.yield
      }) : () -> ()
    }
    %scan3A_22 = arith.constant 62 : i32
    %barrier3A_23 = arith.constant 0 : index
    tpu.barrier barrier_id(%barrier3A_23)
    %mul3A_24 = arith.constant 640 : i32
    %mul3A_25 = arith.muli %arg1, %mul3A_24 : i32
    %mul3A_26 = arith.constant 640 : i32
    %mul3A_27 = arith.muli %arg1, %mul3A_26 : i32
    "tpu.region"() ({
      %run_scoped3A_28 = tpu.sem_alloc : memref<!tpu.dma_semaphore, #tpu.memory_space<semaphore_mem>>
      %dma_start3A_29 = arith.constant 0 : i32
      %dma_start3A_30 = tpu.memref_slice %arg5[%arg0, %mul3A_27, %dma_start3A_29] : memref<2x10240x128xf32, #tpu.memory_space<hbm>> -> memref<1x640x128xf32, #tpu.memory_space<hbm>>
      %dma_start3A_31 = tpu.memref_squeeze %dma_start3A_30 : memref<1x640x128xf32, #tpu.memory_space<hbm>> -> memref<640x128xf32, #tpu.memory_space<hbm>>
      %dma_start3A_32 = arith.constant 0 : i32
      %dma_start3A_33 = tpu.memref_slice %arg10[%mul3A_25, %dma_start3A_32] : memref<10240x128xf32, #tpu.memory_space<vmem_shared>> -> memref<640x128xf32, #tpu.memory_space<vmem_shared>>
      tpu.enqueue_dma source(%dma_start3A_33 : memref<640x128xf32, #tpu.memory_space<vmem_shared>>) target(%dma_start3A_31 : memref<640x128xf32, #tpu.memory_space<hbm>>) target_semaphore(%run_scoped3A_28 : memref<!tpu.dma_semaphore, #tpu.memory_space<semaphore_mem>>)
      %dma_wait3A = arith.constant 0 : i32
      %dma_wait3A_34 = tpu.memref_slice %arg5[%arg0, %mul3A_27, %dma_wait3A] : memref<2x10240x128xf32, #tpu.memory_space<hbm>> -> memref<1x640x128xf32, #tpu.memory_space<hbm>>
      %dma_wait3A_35 = tpu.memref_squeeze %dma_wait3A_34 : memref<1x640x128xf32, #tpu.memory_space<hbm>> -> memref<640x128xf32, #tpu.memory_space<hbm>>
      %dma_wait3A_36 = arith.constant 0 : i32
      %dma_wait3A_37 = tpu.memref_slice %arg10[%mul3A_25, %dma_wait3A_36] : memref<10240x128xf32, #tpu.memory_space<vmem_shared>> -> memref<640x128xf32, #tpu.memory_space<vmem_shared>>
      tpu.wait_dma2 semaphore(%run_scoped3A_28 : memref<!tpu.dma_semaphore, #tpu.memory_space<semaphore_mem>>) src(%dma_wait3A_37 : memref<640x128xf32, #tpu.memory_space<vmem_shared>>) dst(%dma_wait3A_35 : memref<640x128xf32, #tpu.memory_space<hbm>>)
      tpu.yield
    }) : () -> ()
    return
  }
}

module attributes {stable_mosaic.version = 14 : i64} {
  func.func @_stats_body(%arg0: i32, %arg1: memref<3x6400xf32, #tpu.memory_space<vmem>>, %arg2: memref<3x1xf32, #tpu.memory_space<vmem>>, %arg3: memref<3x3xf32, #tpu.memory_space<vmem>>) attributes {dimension_semantics = [#tpu.dimension_semantics<arbitrary>], iteration_bounds = array<i64: 50>, scalar_prefetch = 0 : i64, scratch_operands = 0 : i64, tpu.core_type = #tpu.core_type<tc>, window_params = [{transform_indices = @transform_0, window_bounds = array<i64: 3, 6400>}, {pipeline_mode = #tpu.pipeline_mode<synchronous>, transform_indices = @transform_1, window_bounds = array<i64: 3, 1>}, {pipeline_mode = #tpu.pipeline_mode<synchronous>, transform_indices = @transform_2, window_bounds = array<i64: 3, 3>}]} {
    %get3A = arith.constant 0 : index
    %get3A_0 = arith.constant 0 : index
    %get3A_1 = vector.load %arg1[%get3A, %get3A_0] : memref<3x6400xf32, #tpu.memory_space<vmem>>, vector<3x6400xf32>
    %dot_general3A = arith.constant dense<0.000000e+00> : vector<3x3xf32>
    %dot_general3A_2 = tpu.matmul %get3A_1, %get3A_1, %dot_general3A {dimension_numbers = #tpu.dot_dimension_numbers<[1], [1], [0], [0], [0, 0, 1, 0], [], []>, transpose_lhs_hint = false} : vector<3x6400xf32>, vector<3x6400xf32>, vector<3x3xf32> -> vector<3x3xf32>
    %eq3A = arith.constant 0 : i32
    %eq3A_3 = arith.cmpi eq, %arg0, %eq3A : i32
    %convert_element_type3A = arith.extui %eq3A_3 : i1 to i32
    %cond3A = arith.constant 0 : i32
    %cond3A_4 = arith.cmpi ne, %convert_element_type3A, %cond3A : i32
    scf.if %cond3A_4 {
      %broadcast_in_dim3A_18 = arith.constant 0.000000e+00 : f32
      %broadcast_in_dim3A_19 = vector.broadcast %broadcast_in_dim3A_18 : f32 to vector<3x1xf32>
      %swap3A_20 = arith.constant 0 : index
      %swap3A_21 = arith.constant 0 : index
      %swap3A_22 = vector.load %arg2[%swap3A_20, %swap3A_21] : memref<3x1xf32, #tpu.memory_space<vmem>>, vector<3x1xf32>
      tpu.vector_store %arg2[%swap3A_20, %swap3A_21], %broadcast_in_dim3A_19 {strides = array<i32>} : memref<3x1xf32, #tpu.memory_space<vmem>>, vector<3x1xf32>,
      %broadcast_in_dim3A_23 = arith.constant 0.000000e+00 : f32
      %broadcast_in_dim3A_24 = vector.broadcast %broadcast_in_dim3A_23 : f32 to vector<3x3xf32>
      %swap3A_25 = arith.constant 0 : index
      %swap3A_26 = arith.constant 0 : index
      %swap3A_27 = vector.load %arg3[%swap3A_25, %swap3A_26] : memref<3x3xf32, #tpu.memory_space<vmem>>, vector<3x3xf32>
      tpu.vector_store %arg3[%swap3A_25, %swap3A_26], %broadcast_in_dim3A_24 {strides = array<i32>} : memref<3x3xf32, #tpu.memory_space<vmem>>, vector<3x3xf32>,
    } else {
    }
    %get3A_5 = arith.constant 0 : index
    %get3A_6 = arith.constant 0 : index
    %get3A_7 = vector.load %arg2[%get3A_5, %get3A_6] : memref<3x1xf32, #tpu.memory_space<vmem>>, vector<3x1xf32>
    %reduce_sum3A = arith.constant dense<0.000000e+00> : vector<3xf32>
    %reduce_sum3A_8 = vector.multi_reduction <add>, %get3A_1, %reduce_sum3A [1] : vector<3x6400xf32> to vector<3xf32>
    %broadcast_in_dim3A = vector.shape_cast %reduce_sum3A_8 : vector<3xf32> to vector<3x1xf32>
    %add3A = arith.addf %get3A_7, %broadcast_in_dim3A : vector<3x1xf32>
    %swap3A = arith.constant 0 : index
    %swap3A_9 = arith.constant 0 : index
    %swap3A_10 = vector.load %arg2[%swap3A, %swap3A_9] : memref<3x1xf32, #tpu.memory_space<vmem>>, vector<3x1xf32>
    tpu.vector_store %arg2[%swap3A, %swap3A_9], %add3A {strides = array<i32>} : memref<3x1xf32, #tpu.memory_space<vmem>>, vector<3x1xf32>,
    %get3A_11 = arith.constant 0 : index
    %get3A_12 = arith.constant 0 : index
    %get3A_13 = vector.load %arg3[%get3A_11, %get3A_12] : memref<3x3xf32, #tpu.memory_space<vmem>>, vector<3x3xf32>
    %add3A_14 = arith.addf %get3A_13, %dot_general3A_2 : vector<3x3xf32>
    %swap3A_15 = arith.constant 0 : index
    %swap3A_16 = arith.constant 0 : index
    %swap3A_17 = vector.load %arg3[%swap3A_15, %swap3A_16] : memref<3x3xf32, #tpu.memory_space<vmem>>, vector<3x3xf32>
    tpu.vector_store %arg3[%swap3A_15, %swap3A_16], %add3A_14 {strides = array<i32>} : memref<3x3xf32, #tpu.memory_space<vmem>>, vector<3x3xf32>,
    return
  }
  func.func @transform_0(%arg0: i32) -> (i32, i32) {
    %c0_i32 = arith.constant 0 : i32
    %c0_i32_0 = arith.constant 0 : i32
    return %c0_i32, %arg0 : i32, i32
  }
  func.func @transform_1(%arg0: i32) -> (i32, i32) {
    %c0_i32 = arith.constant 0 : i32
    %c0_i32_0 = arith.constant 0 : i32
    %c0_i32_1 = arith.constant 0 : i32
    return %c0_i32, %c0_i32_0 : i32, i32
  }
  func.func @transform_2(%arg0: i32) -> (i32, i32) {
    %c0_i32 = arith.constant 0 : i32
    %c0_i32_0 = arith.constant 0 : i32
    %c0_i32_1 = arith.constant 0 : i32
    return %c0_i32, %c0_i32_0 : i32, i32
  }
}

module attributes {stable_mosaic.version = 14 : i64} {
  func.func @_dense_body(%arg0: i32, %arg1: memref<3x1xf32, #tpu.memory_space<vmem>>, %arg2: memref<3x3xf32, #tpu.memory_space<vmem>>, %arg3: memref<1x128xf32, #tpu.memory_space<vmem>>, %arg4: memref<1x128xf32, #tpu.memory_space<vmem>>, %arg5: memref<3x6400xf32, #tpu.memory_space<vmem>>, %arg6: memref<6400x128xf32, #tpu.memory_space<vmem>>, %arg7: memref<3x128xf32, #tpu.memory_space<vmem>>, %arg8: memref<128x16xf32, #tpu.memory_space<vmem>>, %arg9: memref<128x32xf32, #tpu.memory_space<vmem>>, %arg10: memref<1x32xf32, #tpu.memory_space<vmem>>, %arg11: memref<6400x32xf32, #tpu.memory_space<vmem>>) attributes {dimension_semantics = [#tpu.dimension_semantics<arbitrary>], iteration_bounds = array<i64: 50>, scalar_prefetch = 0 : i64, scratch_operands = 0 : i64, tpu.core_type = #tpu.core_type<tc>, window_params = [{pipeline_mode = #tpu.pipeline_mode<synchronous>, transform_indices = @transform_0, window_bounds = array<i64: 3, 1>}, {pipeline_mode = #tpu.pipeline_mode<synchronous>, transform_indices = @transform_1, window_bounds = array<i64: 3, 3>}, {pipeline_mode = #tpu.pipeline_mode<synchronous>, transform_indices = @transform_2, window_bounds = array<i64: 1, 128>}, {pipeline_mode = #tpu.pipeline_mode<synchronous>, transform_indices = @transform_3, window_bounds = array<i64: 1, 128>}, {transform_indices = @transform_4, window_bounds = array<i64: 3, 6400>}, {transform_indices = @transform_5, window_bounds = array<i64: 6400, 128>}, {pipeline_mode = #tpu.pipeline_mode<synchronous>, transform_indices = @transform_6, window_bounds = array<i64: 3, 128>}, {pipeline_mode = #tpu.pipeline_mode<synchronous>, transform_indices = @transform_7, window_bounds = array<i64: 128, 16>}, {pipeline_mode = #tpu.pipeline_mode<synchronous>, transform_indices = @transform_8, window_bounds = array<i64: 128, 32>}, {pipeline_mode = #tpu.pipeline_mode<synchronous>, transform_indices = @transform_9, window_bounds = array<i64: 1, 32>}, {transform_indices = @transform_10, window_bounds = array<i64: 6400, 32>}]} {
    %get3A = arith.constant 0 : index
    %get3A_0 = arith.constant 0 : index
    %get3A_1 = vector.load %arg7[%get3A, %get3A_0] : memref<3x128xf32, #tpu.memory_space<vmem>>, vector<3x128xf32>
    %get3A_2 = arith.constant 0 : index
    %get3A_3 = arith.constant 0 : index
    %get3A_4 = vector.load %arg1[%get3A_2, %get3A_3] : memref<3x1xf32, #tpu.memory_space<vmem>>, vector<3x1xf32>
    %dot_general3A = arith.constant dense<0.000000e+00> : vector<1x128xf32>
    %dot_general3A_5 = tpu.matmul %get3A_4, %get3A_1, %dot_general3A {dimension_numbers = #tpu.dot_dimension_numbers<[0], [0], [1], [1], [0, 1, 1, 1], [], []>, transpose_lhs_hint = false} : vector<3x1xf32>, vector<3x128xf32>, vector<1x128xf32> -> vector<1x128xf32>
    %mul3A = arith.constant 3.125000e-06 : f32
    %mul3A_6 = vector.broadcast %mul3A : f32 to vector<1x128xf32>
    %mul3A_7 = arith.mulf %dot_general3A_5, %mul3A_6 : vector<1x128xf32>
    %get3A_8 = arith.constant 0 : index
    %get3A_9 = arith.constant 0 : index
    %get3A_10 = vector.load %arg2[%get3A_8, %get3A_9] : memref<3x3xf32, #tpu.memory_space<vmem>>, vector<3x3xf32>
    %dot_general3A_11 = arith.constant dense<0.000000e+00> : vector<3x128xf32>
    %dot_general3A_12 = tpu.matmul %get3A_10, %get3A_1, %dot_general3A_11 {dimension_numbers = #tpu.dot_dimension_numbers<[1], [0], [0], [1], [0, 0, 1, 1], [], []>, transpose_lhs_hint = false} : vector<3x3xf32>, vector<3x128xf32>, vector<3x128xf32> -> vector<3x128xf32>
    %mul3A_13 = arith.mulf %get3A_1, %dot_general3A_12 : vector<3x128xf32>
    %reduce_sum3A = arith.constant dense<0.000000e+00> : vector<128xf32>
    %reduce_sum3A_14 = vector.multi_reduction <add>, %mul3A_13, %reduce_sum3A [0] : vector<3x128xf32> to vector<128xf32>
    %broadcast_in_dim3A = vector.shape_cast %reduce_sum3A_14 : vector<128xf32> to vector<1x128xf32>
    %mul3A_15 = arith.constant 3.125000e-06 : f32
    %mul3A_16 = vector.broadcast %mul3A_15 : f32 to vector<1x128xf32>
    %mul3A_17 = arith.mulf %broadcast_in_dim3A, %mul3A_16 : vector<1x128xf32>
    %mul3A_18 = arith.mulf %mul3A_7, %mul3A_7 : vector<1x128xf32>
    %sub3A = arith.subf %mul3A_17, %mul3A_18 : vector<1x128xf32>
    %get3A_19 = arith.constant 0 : index
    %get3A_20 = arith.constant 0 : index
    %get3A_21 = vector.load %arg3[%get3A_19, %get3A_20] : memref<1x128xf32, #tpu.memory_space<vmem>>, vector<1x128xf32>
    %add3A = arith.constant 9.99999974E-6 : f32
    %add3A_22 = vector.broadcast %add3A : f32 to vector<1x128xf32>
    %add3A_23 = arith.addf %sub3A, %add3A_22 : vector<1x128xf32>
    %rsqrt3A = math.rsqrt %add3A_23 : vector<1x128xf32>
    %mul3A_24 = arith.mulf %get3A_21, %rsqrt3A : vector<1x128xf32>
    %get3A_25 = arith.constant 0 : index
    %get3A_26 = arith.constant 0 : index
    %get3A_27 = vector.load %arg4[%get3A_25, %get3A_26] : memref<1x128xf32, #tpu.memory_space<vmem>>, vector<1x128xf32>
    %mul3A_28 = arith.mulf %mul3A_7, %mul3A_24 : vector<1x128xf32>
    %sub3A_29 = arith.subf %get3A_27, %mul3A_28 : vector<1x128xf32>
    %get3A_30 = arith.constant 0 : index
    %get3A_31 = arith.constant 0 : index
    %get3A_32 = vector.load %arg5[%get3A_30, %get3A_31] : memref<3x6400xf32, #tpu.memory_space<vmem>>, vector<3x6400xf32>
    %get3A_33 = arith.constant 0 : index
    %get3A_34 = arith.constant 0 : index
    %get3A_35 = vector.load %arg7[%get3A_33, %get3A_34] : memref<3x128xf32, #tpu.memory_space<vmem>>, vector<3x128xf32>
    %dot_general3A_36 = arith.constant dense<0.000000e+00> : vector<6400x128xf32>
    %dot_general3A_37 = tpu.matmul %get3A_32, %get3A_35, %dot_general3A_36 {dimension_numbers = #tpu.dot_dimension_numbers<[0], [0], [1], [1], [0, 1, 1, 1], [], []>, transpose_lhs_hint = false} : vector<3x6400xf32>, vector<3x128xf32>, vector<6400x128xf32> -> vector<6400x128xf32>
    %mul3A_38 = vector.broadcast %mul3A_24 : vector<1x128xf32> to vector<6400x128xf32>
    %mul3A_39 = arith.mulf %dot_general3A_37, %mul3A_38 : vector<6400x128xf32>
    %add3A_40 = vector.broadcast %sub3A_29 : vector<1x128xf32> to vector<6400x128xf32>
    %add3A_41 = arith.addf %mul3A_39, %add3A_40 : vector<6400x128xf32>
    %max3A = arith.constant 0.000000e+00 : f32
    %max3A_42 = vector.broadcast %max3A : f32 to vector<6400x128xf32>
    %max3A_43 = arith.maximumf %add3A_41, %max3A_42 : vector<6400x128xf32>
    %get3A_44 = arith.constant 0 : index
    %get3A_45 = arith.constant 0 : index
    %get3A_46 = vector.load %arg6[%get3A_44, %get3A_45] : memref<6400x128xf32, #tpu.memory_space<vmem>>, vector<6400x128xf32>
    %get3A_47 = arith.constant 0 : index
    %get3A_48 = arith.constant 0 : index
    %get3A_49 = vector.load %arg9[%get3A_47, %get3A_48] : memref<128x32xf32, #tpu.memory_space<vmem>>, vector<128x32xf32>
    %dot_general3A_50 = arith.constant dense<0.000000e+00> : vector<6400x32xf32>
    %dot_general3A_51 = tpu.matmul %get3A_46, %get3A_49, %dot_general3A_50 {dimension_numbers = #tpu.dot_dimension_numbers<[1], [0], [0], [1], [0, 0, 1, 1], [], []>, transpose_lhs_hint = false} : vector<6400x128xf32>, vector<128x32xf32>, vector<6400x32xf32> -> vector<6400x32xf32>
    %get3A_52 = arith.constant 0 : index
    %get3A_53 = arith.constant 0 : index
    %get3A_54 = vector.load %arg10[%get3A_52, %get3A_53] : memref<1x32xf32, #tpu.memory_space<vmem>>, vector<1x32xf32>
    %add3A_55 = vector.broadcast %get3A_54 : vector<1x32xf32> to vector<6400x32xf32>
    %add3A_56 = arith.addf %dot_general3A_51, %add3A_55 : vector<6400x32xf32>
    %get3A_57 = arith.constant 0 : index
    %get3A_58 = arith.constant 0 : index
    %get3A_59 = vector.load %arg8[%get3A_57, %get3A_58] : memref<128x16xf32, #tpu.memory_space<vmem>>, vector<128x16xf32>
    %dot_general3A_60 = arith.constant dense<0.000000e+00> : vector<6400x16xf32>
    %dot_general3A_61 = tpu.matmul %max3A_43, %get3A_59, %dot_general3A_60 {dimension_numbers = #tpu.dot_dimension_numbers<[1], [0], [0], [1], [0, 0, 1, 1], [], []>, transpose_lhs_hint = false} : vector<6400x128xf32>, vector<128x16xf32>, vector<6400x16xf32> -> vector<6400x16xf32>
    %slice3A = vector.extract_strided_slice %add3A_56 {offsets = [0, 0], sizes = [6400, 16], strides = [1, 1]} : vector<6400x32xf32> to vector<6400x16xf32>
    %add3A_62 = arith.addf %slice3A, %dot_general3A_61 : vector<6400x16xf32>
    %max3A_63 = arith.constant 0.000000e+00 : f32
    %max3A_64 = vector.broadcast %max3A_63 : f32 to vector<6400x16xf32>
    %max3A_65 = arith.maximumf %add3A_62, %max3A_64 : vector<6400x16xf32>
    %slice3A_66 = vector.extract_strided_slice %add3A_56 {offsets = [0, 16], sizes = [6400, 16], strides = [1, 1]} : vector<6400x32xf32> to vector<6400x16xf32>
    %max3A_67 = arith.constant 0.000000e+00 : f32
    %max3A_68 = vector.broadcast %max3A_67 : f32 to vector<6400x16xf32>
    %max3A_69 = arith.maximumf %slice3A_66, %max3A_68 : vector<6400x16xf32>
    %exp3A = math.exp %max3A_65 : vector<6400x16xf32>
    %mul3A_70 = arith.mulf %max3A_69, %exp3A : vector<6400x16xf32>
    %concatenate3A = tpu.concatenate %exp3A, %mul3A_70 in 1 : vector<6400x16xf32>, vector<6400x16xf32> -> vector<6400x32xf32>
    %swap3A = arith.constant 0 : index
    %swap3A_71 = arith.constant 0 : index
    %swap3A_72 = vector.load %arg11[%swap3A, %swap3A_71] : memref<6400x32xf32, #tpu.memory_space<vmem>>, vector<6400x32xf32>
    tpu.vector_store %arg11[%swap3A, %swap3A_71], %concatenate3A {strides = array<i32>} : memref<6400x32xf32, #tpu.memory_space<vmem>>, vector<6400x32xf32>,
    return
  }
  func.func @transform_0(%arg0: i32) -> (i32, i32) {
    %c0_i32 = arith.constant 0 : i32
    %c0_i32_0 = arith.constant 0 : i32
    %c0_i32_1 = arith.constant 0 : i32
    return %c0_i32, %c0_i32_0 : i32, i32
  }
  func.func @transform_1(%arg0: i32) -> (i32, i32) {
    %c0_i32 = arith.constant 0 : i32
    %c0_i32_0 = arith.constant 0 : i32
    %c0_i32_1 = arith.constant 0 : i32
    return %c0_i32, %c0_i32_0 : i32, i32
  }
  func.func @transform_2(%arg0: i32) -> (i32, i32) {
    %c0_i32 = arith.constant 0 : i32
    %c0_i32_0 = arith.constant 0 : i32
    %c0_i32_1 = arith.constant 0 : i32
    return %c0_i32, %c0_i32_0 : i32, i32
  }
  func.func @transform_3(%arg0: i32) -> (i32, i32) {
    %c0_i32 = arith.constant 0 : i32
    %c0_i32_0 = arith.constant 0 : i32
    %c0_i32_1 = arith.constant 0 : i32
    return %c0_i32, %c0_i32_0 : i32, i32
  }
  func.func @transform_4(%arg0: i32) -> (i32, i32) {
    %c0_i32 = arith.constant 0 : i32
    %c0_i32_0 = arith.constant 0 : i32
    return %c0_i32, %arg0 : i32, i32
  }
  func.func @transform_5(%arg0: i32) -> (i32, i32) {
    %c0_i32 = arith.constant 0 : i32
    %c0_i32_0 = arith.constant 0 : i32
    return %arg0, %c0_i32 : i32, i32
  }
  func.func @transform_6(%arg0: i32) -> (i32, i32) {
    %c0_i32 = arith.constant 0 : i32
    %c0_i32_0 = arith.constant 0 : i32
    %c0_i32_1 = arith.constant 0 : i32
    return %c0_i32, %c0_i32_0 : i32, i32
  }
  func.func @transform_7(%arg0: i32) -> (i32, i32) {
    %c0_i32 = arith.constant 0 : i32
    %c0_i32_0 = arith.constant 0 : i32
    %c0_i32_1 = arith.constant 0 : i32
    return %c0_i32, %c0_i32_0 : i32, i32
  }
  func.func @transform_8(%arg0: i32) -> (i32, i32) {
    %c0_i32 = arith.constant 0 : i32
    %c0_i32_0 = arith.constant 0 : i32
    %c0_i32_1 = arith.constant 0 : i32
    return %c0_i32, %c0_i32_0 : i32, i32
  }
  func.func @transform_9(%arg0: i32) -> (i32, i32) {
    %c0_i32 = arith.constant 0 : i32
    %c0_i32_0 = arith.constant 0 : i32
    %c0_i32_1 = arith.constant 0 : i32
    return %c0_i32, %c0_i32_0 : i32, i32
  }
  func.func @transform_10(%arg0: i32) -> (i32, i32) {
    %c0_i32 = arith.constant 0 : i32
    %c0_i32_0 = arith.constant 0 : i32
    return %arg0, %c0_i32 : i32, i32
  }
}

module attributes {stable_mosaic.version = 14 : i64} {
  func.func @_combine_body(%arg0: i32, %arg1: memref<2x1000x128xf32, #tpu.memory_space<vmem>>, %arg2: memref<1000x128xf32, #tpu.memory_space<vmem>>, %arg3: memref<1000x128xf32, #tpu.memory_space<vmem>>) attributes {dimension_semantics = [#tpu.dimension_semantics<arbitrary>], iteration_bounds = array<i64: 10>, scalar_prefetch = 0 : i64, scratch_operands = 0 : i64, tpu.core_type = #tpu.core_type<tc>, window_params = [{transform_indices = @transform_0, window_bounds = array<i64: 2, 1000, 128>}, {transform_indices = @transform_1, window_bounds = array<i64: 1000, 128>}, {transform_indices = @transform_2, window_bounds = array<i64: 1000, 128>}]} {
    %get3A = arith.constant 0 : index
    %get3A_0 = arith.constant 0 : index
    %get3A_1 = arith.constant 0 : index
    %get3A_2 = vector.load %arg1[%get3A, %get3A_0, %get3A_1] : memref<2x1000x128xf32, #tpu.memory_space<vmem>>, vector<1x1000x128xf32>
    %get3A_3 = vector.shape_cast %get3A_2 : vector<1x1000x128xf32> to vector<1000x128xf32>
    %get3A_4 = arith.constant 1 : index
    %get3A_5 = arith.constant 0 : index
    %get3A_6 = arith.constant 0 : index
    %get3A_7 = vector.load %arg1[%get3A_4, %get3A_5, %get3A_6] : memref<2x1000x128xf32, #tpu.memory_space<vmem>>, vector<1x1000x128xf32>
    %get3A_8 = vector.shape_cast %get3A_7 : vector<1x1000x128xf32> to vector<1000x128xf32>
    %add3A = arith.addf %get3A_3, %get3A_8 : vector<1000x128xf32>
    %slice3A = vector.extract_strided_slice %add3A {offsets = [0, 0], sizes = [1000, 16], strides = [1, 1]} : vector<1000x128xf32> to vector<1000x16xf32>
    %slice3A_9 = vector.extract_strided_slice %add3A {offsets = [0, 16], sizes = [1000, 16], strides = [1, 1]} : vector<1000x128xf32> to vector<1000x16xf32>
    %gt3A = arith.constant 0.000000e+00 : f32
    %gt3A_10 = vector.broadcast %gt3A : f32 to vector<1000x16xf32>
    %gt3A_11 = arith.cmpf ogt, %slice3A, %gt3A_10 : vector<1000x16xf32>
    %jit3A = arith.constant 1.000000e+00 : f32
    %broadcast_in_dim3A = vector.broadcast %jit3A : f32 to vector<1000x16xf32>
    %select_n3A = arith.select %gt3A_11, %slice3A, %broadcast_in_dim3A : vector<1000x16xi1>, vector<1000x16xf32>
    %div3A = arith.divf %slice3A_9, %select_n3A : vector<1000x16xf32>
    %jit3A_12 = arith.constant 0.000000e+00 : f32
    %broadcast_in_dim3A_13 = vector.broadcast %jit3A_12 : f32 to vector<1000x16xf32>
    %select_n3A_14 = arith.select %gt3A_11, %div3A, %broadcast_in_dim3A_13 : vector<1000x16xi1>, vector<1000x16xf32>
    %get3A_15 = arith.constant 0 : index
    %get3A_16 = arith.constant 0 : index
    %get3A_17 = vector.load %arg2[%get3A_15, %get3A_16] : memref<1000x128xf32, #tpu.memory_space<vmem>>, vector<1000x128xf32>
    %concatenate3A = tpu.concatenate %select_n3A_14, %select_n3A_14, %select_n3A_14, %select_n3A_14, %select_n3A_14, %select_n3A_14, %select_n3A_14, %select_n3A_14 in 1 : vector<1000x16xf32>, vector<1000x16xf32>, vector<1000x16xf32>, vector<1000x16xf32>, vector<1000x16xf32>, vector<1000x16xf32>, vector<1000x16xf32>, vector<1000x16xf32> -> vector<1000x128xf32>
    %add3A_18 = arith.addf %get3A_17, %concatenate3A : vector<1000x128xf32>
    %swap3A = arith.constant 0 : index
    %swap3A_19 = arith.constant 0 : index
    %swap3A_20 = vector.load %arg3[%swap3A, %swap3A_19] : memref<1000x128xf32, #tpu.memory_space<vmem>>, vector<1000x128xf32>
    tpu.vector_store %arg3[%swap3A, %swap3A_19], %add3A_18 {strides = array<i32>} : memref<1000x128xf32, #tpu.memory_space<vmem>>, vector<1000x128xf32>,
    return
  }
  func.func @transform_0(%arg0: i32) -> (i32, i32, i32) {
    %c0_i32 = arith.constant 0 : i32
    %c0_i32_0 = arith.constant 0 : i32
    %c0_i32_1 = arith.constant 0 : i32
    return %c0_i32, %arg0, %c0_i32_0 : i32, i32, i32
  }
  func.func @transform_1(%arg0: i32) -> (i32, i32) {
    %c0_i32 = arith.constant 0 : i32
    %c0_i32_0 = arith.constant 0 : i32
    return %arg0, %c0_i32 : i32, i32
  }
  func.func @transform_2(%arg0: i32) -> (i32, i32) {
    %c0_i32 = arith.constant 0 : i32
    %c0_i32_0 = arith.constant 0 : i32
    return %arg0, %c0_i32 : i32, i32
  }
}

</mosaic_0001>

<sc_bundles>
// kernel: kernel.6.cloned.1.call-start
scs
__scs_entry_jumppad:
0x0: {  	(pc) =	sbr.rel $0x88, $3  }
0x1: {  	(tag) =	ssettag $0x0;
	lr =	simm.s32 $0x1  }
0x2: {  	[smem:$0x3F96] =	sst lr;
	_ =	strace $0xD0000000  }
0x3: {  	_ = 	snop  }
0x4: {  	_ = 	snop  }
0x5: {  	_ = 	snop  }
0x6: {  	_ = 	snop  }
0x7: {  	_ = 	snop  }
__scs_overlays_trampoline_lowered:
0x8: {  	[smem:$0x3FA5] =	sst s0  }
0x9: {  	[smem:$0x3FA6] =	sst s1  }
0xa: {  	[smem:$0x3FA7] =	sst s2  }
0xb: {  	[smem:$0x3FA8] =	sst s3  }
0xc: {  	[smem:$0x3FA9] =	sst s4  }
0xd: {  	[smem:$0x3FAA] =	sst s5  }
0xe: {  	[smem:$0x3FAB] =	sst s6  }
0xf: {  	[smem:$0x3FAC] =	sst s7  }
0x10: {  	[smem:$0x3FAD] =	sst s8  }
0x11: {  	[smem:$0x3FAE] =	sst s9;
	s0 =	simm.s32 @!p0 $0x0  }
0x12: {  	s1 =	sld [smem:$0x3F94];
	s0 =	simm.s32 @p0 $0x1  }
0x13: {  	[smem:$0x3FAF] =	sst s0;
	s0 =	simm.s32 @!p1 $0x0  }
0x14: {  	s2 =	sld [smem:$0x3F93];
	s0 =	simm.s32 @p1 $0x1  }
0x15: {  	[smem:$0x3FB0] =	sst s0;
	s0 =	simm.s32 @!p2 $0x0  }
0x16: {  	s3 =	sld [smem:$0x3FDB];
	s0 =	simm.s32 @p2 $0x1  }
0x17: {  	s4 =	simm.s32 $0x1BF5;
	[smem:$0x3FB2] =	sst s0  }
0x18: {  	s0 =	sld [smem:$0x3F95];
	_ =	swait.ge [sflag:s4], $0x0  }
0x19: {  	s7 =	sld [smem:$0x3F96]  }
0x1a: {  	s8 =	sadd.s32 $0xFFFFE003, lr  }
0x1b: {  	s9 =	sadd.s32 $0xFFFFFEF7, lr;
	s5 =	simm.s32 $0xFFFFFFFF;
	p2 =	slt.u32 s8, $0xFFFFF086  }
0x1c: {  	p1 =	slt.u32 s9, $0xF7A;
	s5 =	simm.s32 @!p2 $0x0  }
0x1d: {  	s5 =	simm.s32 @p1 $0x1;
	p0 =	seq.s32 s7, s2  }
0x1e: {  	s7 =	smul.u32 @!p0 $0xF7A, s2;
	p2 =	seq.s32 @!p0 s5, $0x0  }
0x1f: {  	s9 =	smul.u32 $0xF7A, s1;
	s8 =	simm.s32 @!p0 $0x1BF5;
	p2 =	por !p2, p0  }
0x20: {  	[sflag:s8] =	ssyncset.s32 @!p0 $0xFFFFF086;
	s6 =	sadd.s32 @!p0 s3, s7;
	s7 =	simm.s32 @!p0 $0x108  }
0x21: {  	s3 =	sadd.s32 s3, s9;
	s6 =	sadd.s32 @!p0 $0x88, s6;
	s7 =	simm.s32 @p2 $0x1082  }
0x22: {  	[simem:s7], [sflag:s8] =	dma.local @!p0 [hbm:s6], $0xF7A  }
0x23: {  	s9 =	sor.u32 $0xD0000000, s2;
	s6 =	simm.s32 $0x108;
	_ =	swait.ge @!p0 [sflag:s8], $0x0  }
0x24: {  	s3 =	sadd.s32 $0x88, s3;
	s6 =	simm.s32 @!p1 $0x1082;
	[sflag:s4] =	ssyncset.s32 $0xFFFFF086  }
0x25: {  	[simem:s6], [sflag:s4] =	dma.local [hbm:s3], $0xF7A  }
0x26: {  	[smem:$0x3F96] =	sst s1;
	(tag) =	ssettag s2;
	_ =	strace s9  }
0x27: {  	s1 =	sld [smem:$0x3FA6]  }
0x28: {  	s2 =	sld [smem:$0x3FA7]  }
0x29: {  	s4 =	sld [smem:$0x3FA9]  }
0x2a: {  	p0 =	seq.s32 s5, $0x0;
	s5 =	sld [smem:$0x3FAA]  }
0x2b: {  	s6 =	sld [smem:$0x3FAB]  }
0x2c: {  	s7 =	sld [smem:$0x3FAC]  }
0x2d: {  	s3 =	simm.s32 $0x108;
	s8 =	sld [smem:$0x3FAD]  }
0x2e: {  	s3 =	simm.s32 @!p0 $0x1082;
	s9 =	sld [smem:$0x3FAE]  }
0x2f: {  	lr =	sadd.s32 s0, s3;
	s0 =	sld [smem:$0x3FA5]  }
0x30: {  	s3 =	sld [smem:$0x3FA8]  }
0x31: {  	[smem:$0x3FB1] =	sst s10  }
0x32: {  	s10 =	sld [smem:$0x3FAF];
	_ =	sdelay $0x3  }
0x33: {  	p0 =	seq.s32 s10, $0x1;
	s10 =	sld [smem:$0x3FB1];
	_ =	sdelay $0x3  }
0x34: {  	[smem:$0x3FB1] =	sst s10  }
0x35: {  	s10 =	sld [smem:$0x3FB0];
	_ =	sdelay $0x3  }
0x36: {  	p1 =	seq.s32 s10, $0x1;
	s10 =	sld [smem:$0x3FB1];
	_ =	sdelay $0x3  }
0x37: {  	[smem:$0x3FB1] =	sst s10  }
0x38: {  	s10 =	sld [smem:$0x3FB2]  }
0x39: {  	_ = 	snop;
	(pc) =	sbr.ind lr, $3  }
0x3a: {  	_ = 	snop  }
0x3b: {  	_ = 	snop  }
0x3c: {  	p2 =	seq.s32 s10, $0x1;
	s10 =	sld [smem:$0x3FB1]  }
0x3d: {  	_ =	shalt  }
0x3e: {  	_ =	shalt  }
0x3f: {  	_ =	shalt  }
0x40: {  	_ =	shalt  }
0x41: {  	_ =	shalt  }
0x42: {  	_ =	shalt  }
0x43: {  	_ =	shalt  }
0x44: {  	_ =	shalt  }
0x45: {  	_ =	shalt  }
0x46: {  	_ =	shalt  }
0x47: {  	_ =	shalt  }
0x48: {  	_ =	shalt  }
0x49: {  	_ =	shalt  }
0x4a: {  	_ =	shalt  }
0x4b: {  	_ =	shalt  }
0x4c: {  	_ =	shalt  }
0x4d: {  	_ =	shalt  }
0x4e: {  	_ =	shalt  }
0x4f: {  	_ =	shalt  }
0x50: {  	_ =	shalt  }
0x51: {  	_ =	shalt  }
0x52: {  	_ =	shalt  }
0x53: {  	_ =	shalt  }
0x54: {  	_ =	shalt  }
0x55: {  	_ =	shalt  }
0x56: {  	_ =	shalt  }
0x57: {  	_ =	shalt  }
0x58: {  	_ =	shalt  }
0x59: {  	_ =	shalt  }
0x5a: {  	_ =	shalt  }
0x5b: {  	_ =	shalt  }
0x5c: {  	_ =	shalt  }
0x5d: {  	_ =	shalt  }
0x5e: {  	_ =	shalt  }
0x5f: {  	_ =	shalt  }
0x60: {  	_ =	shalt  }
0x61: {  	_ =	shalt  }
0x62: {  	_ =	shalt  }
0x63: {  	_ =	shalt  }
0x64: {  	_ =	shalt  }
0x65: {  	_ =	shalt  }
0x66: {  	_ =	shalt  }
0x67: {  	_ =	shalt  }
0x68: {  	_ =	shalt  }
0x69: {  	_ =	shalt  }
0x6a: {  	_ =	shalt  }
0x6b: {  	_ =	shalt  }
0x6c: {  	_ =	shalt  }
0x6d: {  	_ =	shalt  }
0x6e: {  	_ =	shalt  }
0x6f: {  	_ =	shalt  }
0x70: {  	_ =	shalt  }
0x71: {  	_ =	shalt  }
0x72: {  	_ =	shalt  }
0x73: {  	_ =	shalt  }
0x74: {  	_ =	shalt  }
0x75: {  	_ =	shalt  }
0x76: {  	_ =	shalt  }
0x77: {  	_ =	shalt  }
0x78: {  	_ =	shalt  }
0x79: {  	_ =	shalt  }
0x7a: {  	_ =	shalt  }
0x7b: {  	_ =	shalt  }
0x7c: {  	_ =	shalt  }
0x7d: {  	_ =	shalt  }
0x7e: {  	_ =	shalt  }
0x7f: {  	_ =	shalt  }
0x80: {  	_ =	shalt  }
0x81: {  	_ =	shalt  }
0x82: {  	_ =	shalt  }
0x83: {  	_ =	shalt  }
0x84: {  	_ =	shalt  }
0x85: {  	_ =	shalt  }
0x86: {  	_ =	shalt  }
0x87: {  	_ =	shalt  }
.Lfunc_end0:
.L_simem_size_0:
called_computation_lowered:
.L_overlay_start_0:
0x88: {  	s2 =	sld [smem:$0x3FD9]  }
0x89: {  	s3 =	sld [smem:$0x3FFE];
	_ =	sdelay $0x1  }
0x8a: {  	s1 =	srdreg.scid  }
0x8b: {  	s0 =	sand.u32 $0x1, s1  }
0x8c: {  	s17 =	sshll.u32 s0, $0xA;
	s2 =	sadd.s32 s3, s2  }
0x8d: {  	s2 =	sadd.s32 s2, s17  }
0x8e: {  	[smem:$0x3FBD] =	sst s2  }
0x8f: {  	_ = 	snop  }
0x90: {  	s2 =	sld [smem:$0x3FD0];
	(tm) =	ssettm $0x1  }
0x91: {  	s18 =	sld [smem:$0x3FFB];
	_ =	sdelay $0x3  }
0x92: {  	_ =	strace s18  }
0x93: {  	s3 =	sld [smem:$0x3FFC];
	_ =	sdelay $0x3  }
0x94: {  	_ =	strace s3  }
0x95: {  	s3 =	sld [smem:$0x3FFD];
	_ =	sdelay $0x3  }
0x96: {  	_ =	strace s3  }
0x97: {  	_ =	strace $0x8FFFFFFF  }
0x98: {  	s19 =	sld [smem:$0x3FDB];
	_ =	sdelay $0x1  }
0x99: {  	s4 =	simm.s32 $_scs_section_size  }
0x9a: {  	s5 =	simm.s32 $_size__tile_overlayer_lowered;
	s6 =	simm.s32 $_tile_overlayer_lowered  }
0x9b: {  	s22 =	simm.s32 $0x1BFF;
	s21 =	sshll.u32 s6, $0x1;
	s3 =	sadd.s32 s4, s19  }
0x9c: {  	s7 =	simm.s32 $0x0;
	s20 =	sshll.u32 s5, $0x1;
	s5 =	sadd.s32 s21, s3  }
0x9d: {  	[timem:s7], [sflag:s22] =	dma.local [hbm:s5], s20  }
0x9e: {  	_ =	swait.ge [sflag:s22], s20  }
0x9f: {  	s4 =	ssub.s32 $0x0, s20;
	[sflag:s22] =	ssyncset.done $0x0  }
0xa0: {  	[sflag:s22] =	ssyncadd.s32 s4;
	_ =	sdelay $0x1  }
0xa1: {  	s23 =	simm.s32 $0x1B8B  }
0xa2: {  	_ =	swait.ge [sflag:s23], $0x1  }
0xa3: {  	[sflag:s23] =	ssyncset.done $0x0  }
0xa4: {  	s25 =	simm.s32 $0x1B8E;
	s24 =	sld [smem:$0x3FFE];
	[sflag:s23] =	ssyncadd.s32 $0xFFFFFFFF  }
0xa5: {  	s26 =	simm.s32 $execute0_lowered;
	[smem:$0x3FD2] =	sst s25  }
0xa6: {  	s5 =	sshll.u32 s26, $0x1;
	_ =	strace $0x80000046;
	[dreg:$0x1] =	wrdreg $0xFFFFFFFF  }
0xa7: {  	s28 =	simm.s32 $_size_execute0_lowered;
	s3 =	sadd.s32 s3, s5;
	[dreg:$0x0] =	wrdreg $0x0  }
0xa8: {  	s5 =	sshll.u32 s28, $0x1;
	[dreg:$0x2] =	wrdreg s3  }
0xa9: {  	[dreg:$0x3] =	wrdreg s5  }
0xaa: {  	[dreg:$0x4] =	wrdreg $0xC0  }
0xab: {  	_ =	task [dreg:s7], $0x5FFFF  }
0xac: {  	[dreg:$0x1] =	wrdreg $0xFFFFFFFF  }
0xad: {  	[dreg:$0x0] =	wrdreg $0x60  }
0xae: {  	[dreg:$0x2] =	wrdreg s2  }
0xaf: {  	[dreg:$0x3] =	wrdreg s24  }
0xb0: {  	[dreg:$0x4] =	wrdreg $0xB8000  }
0xb1: {  	[dreg:$0x5] =	wrdreg $0x9  }
0xb2: {  	_ =	task.clear_ibuf [dreg:s7], $0x6FFFF;
	_ =	strace $0x90000046  }
0xb3: {  	s29 =	simm.s32 $0x9;
	_ =	strace $0x80000048  }
0xb4: {  	_ =	swait.ge [sflag:s29], $0x1  }
0xb5: {  	[sflag:s29] =	ssyncadd.s32 $0xFFFFFFFF  }
0xb6: {  	_ =	strace $0x90000048  }
0xb7: {  	_ =	sfence  }
0xb8: {  	s30 =	sld [smem:$0x0];
	_ =	sdelay $0x2  }
0xb9: {  	s31 =	sshll.u32 s1, $0xD;
	s1 =	sshrl.u32 s1, $0x2  }
0xba: {  	s3 =	sand.u32 $0x4000, s31;
	s1 =	sadd.s32 s1, s30  }
0xbb: {  	s0 =	sor.u32 s3, s0;
	s1 =	sshll.u32 s1, $0x11  }
0xbc: {  	s0 =	sor.u32 s1, s0  }
0xbd: {  	s0 =	sadd.s32 $0x8F2B, s0  }
0xbe: {  	[sflag:s0] =	ssyncadd.remote.s32 $0x1  }
0xbf: {  	_ =	sfence.sel $0xFFFF  }
0xc0: {  	[dreg:$0x0] =	wrdreg $0xFFFFFFFF;
	(pc) =	sbr.abs _section_cstart, $3  }
0xc1: {  	[dreg:$0x1] =	wrdreg $0xFFFFFFFF  }
0xc2: {  	_ =	task.clear_ibuf [dreg:s7], $0x2FFFF;
	_ =	strace $0x9FFFFFFF  }
0xc3: {  	(tm) =	ssettm $0x7FFFFFFF  }
tec
execute0_lowered:
.L_overlay_start_1:
0x0: {  	(tag) =	ssettag $0x1  }
0x1: {  	s7 =	rddreg [dreg:$0x0]  }
0x2: {  	s6 =	rddreg [dreg:$0x1]  }
0x3: {  	s1 =	rddreg [dreg:$0x2]  }
0x4: {  	s0 =	rddreg [dreg:$0x3];
	s3 =	simm.s32 $0x0;
	s2 =	srdreg.scid  }
0x5: {  	s17 =	simm.s32 $0x4000;
	s18 =	simm.s32 $0x6800;
	s8 =	sand.u32 $0x1, s2  }
0x6: {  	s19 =	simm.s32 $0x50;
	s2 =	stileid.u32;
	s9 =	smul.u32 $0x140000, s8  }
0x7: {  	s20 =	simm.s32 $0x1;
	[smem:$0x7FF] =	sst s3;
	s10 =	smul.u32 $0x14000, s2  }
0x8: {  	s4 =	sadd.s32 $0x1800, s6;
	s5 =	sadd.s32 $0x4E3800, s6;
	s22 =	smul.u32 $0x50000, s2  }
0x9: {  	s11 =	sshll.u32 s8, $0x4;
	s12 =	ssub.s32 $0x2, s8;
	s8 =	smul.u32 $0x1388000, s8  }
0xa: {  	_ =	strace $0x80000047;
	s25 =	sshll.u32 s2, $0x6;
	s15 =	smul.u32 $0x138800, s2  }
0xb: {  	s21 =	sor.u32 s2, s11;
	s23 =	sshrl.u32 s12, $0x1;
	s9 =	sadd.s32 s10, s9  }
0xc: {  	s13 =	smul.u32 $0x138800, s21;
	s24 =	sshrl.u32 s22, $0x2;
	s12 =	ssub.s32 s12, s23  }
0xd: {  	s26 =	sshll.u32 s21, $0xB;
	s29 =	sadd.s32 s15, s8;
	s15 =	simm.s32 $0x3  }
0xe: {  	s21 =	simm.s32 $0x2;
	s22 =	simm.s32 $0x0;
	s9 =	sshrl.u32 s9, $0x3  }
0xf: {  	s16 =	sadd.s32 s24, s1;
	s7 =	sadd.s32 s7, s26;
	s30 =	sadd.s32 $0x7800, s29  }
0x10: {  	s11 =	smax.u32 s12, $0x1;
	s14 =	sadd.s32 s9, s6;
	s6 =	sor.u32 $0x1C03, s25  }
0x11: {  	s28 =	sshrl.u32 s13, $0x3;
	s31 =	sshrl.u32 s30, $0x3;
	s13 =	sadd.s32 $0x5000, s29  }
0x12: {  	s8 =	sadd.s32 s4, s28;
	s10 =	sadd.s32 $0x4E6000, s14;
	s12 =	sadd.s32 s31, s4  }
0x13: {  	s14 =	sshrl.u32 s16, $0x3;
	s16 =	simm.s32 $0x9000;
	s9 =	sadd.s32 $0x500, s8  }
.LBB2_1:
0x14: {  	[spmem:s14], [sflag:s6] =	dma.local [hbm:s5], $0x2800  }
0x15: {  	_ =	swait.ge [sflag:s15], $0x2800  }
0x16: {  	[sflag:s15] =	ssyncset.done $0x0  }
0x17: {  	[sflag:s15] =	ssyncadd.s32 $0xFFFFD800  }
0x18: {  	[tilespmem:s16], [sflag:$0x3] =	stream.linear.gather [hbm4b:s5+s3], $0x2800, $0x38;
	[tilespmem:$0x1F800] =	vst v63  }
0x19: {  	_ =	swait.ge [sflag:s15], $0x2800  }
0x1a: {  	[sflag:s15] =	ssyncset.done $0x0  }
0x1b: {  	[sflag:s15] =	ssyncadd.s32 $0xFFFFD800  }
0x1c: {  	[bflag:$0x0] =	sbarrier.arrive $0xFFFF  }
0x1d: {  	[tilespmem:s3], [sflag:$0x3] =	stream.linear.gather [hbm4b:s7+s3], $0x3E80, $0x38;
	[tilespmem:$0x1F800] =	vst v63  }
0x1e: {  	_ =	swait.ge [sflag:s15], $0x3E80  }
0x1f: {  	[sflag:s15] =	ssyncset.done $0x0  }
0x20: {  	[sflag:s15] =	ssyncadd.s32 $0xFFFFC180  }
0x21: {  	[tilespmem:s17], [sflag:$0x1] =	stream.linear.gather [hbm4b:s9+s3], $0x2800, $0x38;
	[tilespmem:$0x1F800] =	vst v63  }
0x22: {  	_ = 	snop  }
0x23: {  	[tilespmem:s18], [sflag:$0x3] =	stream.linear.gather [hbm4b:s8+s3], $0x2800, $0x38;
	[tilespmem:$0x1F800] =	vst v63  }
0x24: {  	_ =	swait.ge [sflag:s15], $0x2800  }
0x25: {  	[sflag:s15] =	ssyncset.done $0x0  }
0x26: {  	[sflag:s15] =	ssyncadd.s32 $0xFFFFD800  }
0x27: {  	v0 =	vld [tilespmem:$0x6800]  }
0x28: {  	v1 =	vld [tilespmem:$0x6810]  }
0x29: {  	v2 =	vld [tilespmem:$0x6880]  }
0x2a: {  	v3 =	vld [tilespmem:$0x6890]  }
0x2b: {  	v4 =	vld [tilespmem:$0x6900]  }
0x2c: {  	v21 =	vld [tilespmem:$0x6910];
	[tilespmem:$0x9000] =	vst v0  }
0x2d: {  	v22 =	vld [tilespmem:$0x6980];
	[tilespmem:$0x9010] =	vst v1  }
0x2e: {  	v23 =	vld [tilespmem:$0x6990];
	[tilespmem:$0x9080] =	vst v2  }
0x2f: {  	v24 =	vld [tilespmem:$0x6A00];
	[tilespmem:$0x9090] =	vst v3  }
0x30: {  	v25 =	vld [tilespmem:$0x6A10];
	[tilespmem:$0x9100] =	vst v4  }
0x31: {  	v26 =	vld [tilespmem:$0x6A80];
	[tilespmem:$0x9110] =	vst v21  }
0x32: {  	v27 =	vld [tilespmem:$0x6A90];
	[tilespmem:$0x9180] =	vst v22  }
0x33: {  	v28 =	vld [tilespmem:$0x6B00];
	[tilespmem:$0x9190] =	vst v23  }
0x34: {  	v29 =	vld [tilespmem:$0x6B10];
	[tilespmem:$0x9200] =	vst v24  }
0x35: {  	v30 =	vld [tilespmem:$0x6B80];
	[tilespmem:$0x9210] =	vst v25  }
0x36: {  	v31 =	vld [tilespmem:$0x6B90];
	[tilespmem:$0x9280] =	vst v26  }
0x37: {  	v32 =	vld [tilespmem:$0x6C00];
	[tilespmem:$0x9290] =	vst v27  }
0x38: {  	v33 =	vld [tilespmem:$0x6C10];
	[tilespmem:$0x9300] =	vst v28  }
0x39: {  	v34 =	vld [tilespmem:$0x6C80];
	[tilespmem:$0x9310] =	vst v29  }
0x3a: {  	v35 =	vld [tilespmem:$0x6C90];
	[tilespmem:$0x9380] =	vst v30  }
0x3b: {  	v36 =	vld [tilespmem:$0x6D00];
	[tilespmem:$0x9390] =	vst v31  }
0x3c: {  	v37 =	vld [tilespmem:$0x6D10];
	[tilespmem:$0x9400] =	vst v32  }
0x3d: {  	v38 =	vld [tilespmem:$0x6D80];
	[tilespmem:$0x9410] =	vst v33  }
0x3e: {  	v39 =	vld [tilespmem:$0x6D90];
	[tilespmem:$0x9480] =	vst v34  }
0x3f: {  	v40 =	vld [tilespmem:$0x6E00];
	[tilespmem:$0x9490] =	vst v35  }
0x40: {  	v41 =	vld [tilespmem:$0x6E10];
	[tilespmem:$0x9500] =	vst v36  }
0x41: {  	v42 =	vld [tilespmem:$0x6E80];
	[tilespmem:$0x9510] =	vst v37  }
0x42: {  	v43 =	vld [tilespmem:$0x6E90];
	[tilespmem:$0x9580] =	vst v38  }
0x43: {  	v44 =	vld [tilespmem:$0x6F00];
	[tilespmem:$0x9590] =	vst v39  }
0x44: {  	v45 =	vld [tilespmem:$0x6F10];
	[tilespmem:$0x9600] =	vst v40  }
0x45: {  	v46 =	vld [tilespmem:$0x6F80];
	[tilespmem:$0x9610] =	vst v41  }
0x46: {  	v47 =	vld [tilespmem:$0x6F90];
	[tilespmem:$0x9680] =	vst v42  }
0x47: {  	v48 =	vld [tilespmem:$0x7000];
	[tilespmem:$0x9690] =	vst v43  }
0x48: {  	v49 =	vld [tilespmem:$0x7010];
	[tilespmem:$0x9700] =	vst v44  }
0x49: {  	v50 =	vld [tilespmem:$0x7080];
	[tilespmem:$0x9710] =	vst v45  }
0x4a: {  	v51 =	vld [tilespmem:$0x7090];
	[tilespmem:$0x9780] =	vst v46  }
0x4b: {  	v52 =	vld [tilespmem:$0x7100];
	[tilespmem:$0x9790] =	vst v47  }
0x4c: {  	v53 =	vld [tilespmem:$0x7110];
	[tilespmem:$0x9800] =	vst v48  }
0x4d: {  	v54 =	vld [tilespmem:$0x7180];
	[tilespmem:$0x9810] =	vst v49  }
0x4e: {  	v55 =	vld [tilespmem:$0x7190];
	[tilespmem:$0x9880] =	vst v50  }
0x4f: {  	v56 =	vld [tilespmem:$0x7200];
	[tilespmem:$0x9890] =	vst v51  }
0x50: {  	v57 =	vld [tilespmem:$0x7210];
	[tilespmem:$0x9900] =	vst v52  }
0x51: {  	v58 =	vld [tilespmem:$0x7280];
	[tilespmem:$0x9910] =	vst v53  }
0x52: {  	v59 =	vld [tilespmem:$0x7290];
	[tilespmem:$0x9980] =	vst v54  }
0x53: {  	v60 =	vld [tilespmem:$0x7300];
	[tilespmem:$0x9990] =	vst v55  }
0x54: {  	v61 =	vld [tilespmem:$0x7310];
	[tilespmem:$0x9A00] =	vst v56  }
0x55: {  	v62 =	vld [tilespmem:$0x7380];
	[tilespmem:$0x9A10] =	vst v57  }
0x56: {  	v63 =	vld [tilespmem:$0x7390];
	[tilespmem:$0x9A80] =	vst v58  }
0x57: {  	v8 =	vld [tilespmem:$0x7400];
	[tilespmem:$0x9A90] =	vst v59  }
0x58: {  	v9 =	vld [tilespmem:$0x7410];
	[tilespmem:$0x9B00] =	vst v60  }
0x59: {  	v10 =	vld [tilespmem:$0x7480];
	[tilespmem:$0x9B10] =	vst v61  }
0x5a: {  	v11 =	vld [tilespmem:$0x7490];
	[tilespmem:$0x9B80] =	vst v62  }
0x5b: {  	v12 =	vld [tilespmem:$0x7500];
	[tilespmem:$0x9B90] =	vst v63  }
0x5c: {  	v13 =	vld [tilespmem:$0x7510];
	[tilespmem:$0x9C00] =	vst v8  }
0x5d: {  	v14 =	vld [tilespmem:$0x7580];
	[tilespmem:$0x9C10] =	vst v9  }
0x5e: {  	v15 =	vld [tilespmem:$0x7590];
	[tilespmem:$0x9C80] =	vst v10  }
0x5f: {  	v16 =	vld [tilespmem:$0x7600];
	[tilespmem:$0x9C90] =	vst v11  }
0x60: {  	v17 =	vld [tilespmem:$0x7610];
	[tilespmem:$0x9D00] =	vst v12  }
0x61: {  	v18 =	vld [tilespmem:$0x7680];
	[tilespmem:$0x9D10] =	vst v13  }
0x62: {  	v19 =	vld [tilespmem:$0x7690];
	[tilespmem:$0x9D80] =	vst v14  }
0x63: {  	v20 =	vld [tilespmem:$0x7700];
	[tilespmem:$0x9D90] =	vst v15  }
0x64: {  	[tilespmem:$0x9E00] =	vst v16;
	v21 =	vld [tilespmem:$0x7710]  }
0x65: {  	[tilespmem:$0x9E10] =	vst v17;
	v22 =	vld [tilespmem:$0x7780]  }
0x66: {  	[tilespmem:$0x9E80] =	vst v18;
	v23 =	vld [tilespmem:$0x7790]  }
0x67: {  	[tilespmem:$0x9E90] =	vst v19;
	v24 =	vld [tilespmem:$0x7800]  }
0x68: {  	[tilespmem:$0x9F00] =	vst v20;
	v25 =	vld [tilespmem:$0x7810]  }
0x69: {  	v26 =	vld [tilespmem:$0x7880];
	[tilespmem:$0x9F10] =	vst v21  }
0x6a: {  	v27 =	vld [tilespmem:$0x7890];
	[tilespmem:$0x9F80] =	vst v22  }
0x6b: {  	v28 =	vld [tilespmem:$0x7900];
	[tilespmem:$0x9F90] =	vst v23  }
0x6c: {  	v29 =	vld [tilespmem:$0x7910];
	[tilespmem:$0xA000] =	vst v24  }
0x6d: {  	v30 =	vld [tilespmem:$0x7980];
	[tilespmem:$0xA010] =	vst v25  }
0x6e: {  	v31 =	vld [tilespmem:$0x7990];
	[tilespmem:$0xA080] =	vst v26  }
0x6f: {  	v32 =	vld [tilespmem:$0x7A00];
	[tilespmem:$0xA090] =	vst v27  }
0x70: {  	v33 =	vld [tilespmem:$0x7A10];
	[tilespmem:$0xA100] =	vst v28  }
0x71: {  	v34 =	vld [tilespmem:$0x7A80];
	[tilespmem:$0xA110] =	vst v29  }
0x72: {  	v35 =	vld [tilespmem:$0x7A90];
	[tilespmem:$0xA180] =	vst v30  }
0x73: {  	v36 =	vld [tilespmem:$0x7B00];
	[tilespmem:$0xA190] =	vst v31  }
0x74: {  	v37 =	vld [tilespmem:$0x7B10];
	[tilespmem:$0xA200] =	vst v32  }
0x75: {  	v38 =	vld [tilespmem:$0x7B80];
	[tilespmem:$0xA210] =	vst v33  }
0x76: {  	v39 =	vld [tilespmem:$0x7B90];
	[tilespmem:$0xA280] =	vst v34  }
0x77: {  	v40 =	vld [tilespmem:$0x7C00];
	[tilespmem:$0xA290] =	vst v35  }
0x78: {  	v41 =	vld [tilespmem:$0x7C10];
	[tilespmem:$0xA300] =	vst v36  }
0x79: {  	v42 =	vld [tilespmem:$0x7C80];
	[tilespmem:$0xA310] =	vst v37  }
0x7a: {  	v43 =	vld [tilespmem:$0x7C90];
	[tilespmem:$0xA380] =	vst v38  }
0x7b: {  	v44 =	vld [tilespmem:$0x7D00];
	[tilespmem:$0xA390] =	vst v39  }
0x7c: {  	v45 =	vld [tilespmem:$0x7D10];
	[tilespmem:$0xA400] =	vst v40  }
0x7d: {  	v46 =	vld [tilespmem:$0x7D80];
	[tilespmem:$0xA410] =	vst v41  }
0x7e: {  	v47 =	vld [tilespmem:$0x7D90];
	[tilespmem:$0xA480] =	vst v42  }
0x7f: {  	v48 =	vld [tilespmem:$0x7E00];
	[tilespmem:$0xA490] =	vst v43  }
0x80: {  	v49 =	vld [tilespmem:$0x7E10];
	[tilespmem:$0xA500] =	vst v44  }
0x81: {  	v50 =	vld [tilespmem:$0x7E80];
	[tilespmem:$0xA510] =	vst v45  }
0x82: {  	v51 =	vld [tilespmem:$0x7E90];
	[tilespmem:$0xA580] =	vst v46  }
0x83: {  	v52 =	vld [tilespmem:$0x7F00];
	[tilespmem:$0xA590] =	vst v47  }
0x84: {  	v53 =	vld [tilespmem:$0x7F10];
	[tilespmem:$0xA600] =	vst v48  }
0x85: {  	v54 =	vld [tilespmem:$0x7F80];
	[tilespmem:$0xA610] =	vst v49  }
0x86: {  	v55 =	vld [tilespmem:$0x7F90];
	[tilespmem:$0xA680] =	vst v50  }
0x87: {  	v56 =	vld [tilespmem:$0x8000];
	[tilespmem:$0xA690] =	vst v51  }
0x88: {  	v57 =	vld [tilespmem:$0x8010];
	[tilespmem:$0xA700] =	vst v52  }
0x89: {  	v58 =	vld [tilespmem:$0x8080];
	[tilespmem:$0xA710] =	vst v53  }
0x8a: {  	v59 =	vld [tilespmem:$0x8090];
	[tilespmem:$0xA780] =	vst v54  }
0x8b: {  	v60 =	vld [tilespmem:$0x8100];
	[tilespmem:$0xA790] =	vst v55  }
0x8c: {  	v61 =	vld [tilespmem:$0x8110];
	[tilespmem:$0xA800] =	vst v56  }
0x8d: {  	v62 =	vld [tilespmem:$0x8180];
	[tilespmem:$0xA810] =	vst v57  }
0x8e: {  	v63 =	vld [tilespmem:$0x8190];
	[tilespmem:$0xA880] =	vst v58  }
0x8f: {  	v8 =	vld [tilespmem:$0x8200];
	[tilespmem:$0xA890] =	vst v59  }
0x90: {  	v9 =	vld [tilespmem:$0x8210];
	[tilespmem:$0xA900] =	vst v60  }
0x91: {  	v10 =	vld [tilespmem:$0x8280];
	[tilespmem:$0xA910] =	vst v61  }
0x92: {  	v11 =	vld [tilespmem:$0x8290];
	[tilespmem:$0xA980] =	vst v62  }
0x93: {  	v12 =	vld [tilespmem:$0x8300];
	[tilespmem:$0xA990] =	vst v63  }
0x94: {  	v13 =	vld [tilespmem:$0x8310];
	[tilespmem:$0xAA00] =	vst v8  }
0x95: {  	v14 =	vld [tilespmem:$0x8380];
	[tilespmem:$0xAA10] =	vst v9  }
0x96: {  	v15 =	vld [tilespmem:$0x8390];
	[tilespmem:$0xAA80] =	vst v10  }
0x97: {  	v16 =	vld [tilespmem:$0x8400];
	[tilespmem:$0xAA90] =	vst v11  }
0x98: {  	v17 =	vld [tilespmem:$0x8410];
	[tilespmem:$0xAB00] =	vst v12  }
0x99: {  	v18 =	vld [tilespmem:$0x8480];
	[tilespmem:$0xAB10] =	vst v13  }
0x9a: {  	v19 =	vld [tilespmem:$0x8490];
	[tilespmem:$0xAB80] =	vst v14  }
0x9b: {  	v20 =	vld [tilespmem:$0x8500];
	[tilespmem:$0xAB90] =	vst v15  }
0x9c: {  	[tilespmem:$0xAC00] =	vst v16;
	v21 =	vld [tilespmem:$0x8510]  }
0x9d: {  	[tilespmem:$0xAC10] =	vst v17;
	v22 =	vld [tilespmem:$0x8580]  }
0x9e: {  	[tilespmem:$0xAC80] =	vst v18;
	v23 =	vld [tilespmem:$0x8590]  }
0x9f: {  	[tilespmem:$0xAC90] =	vst v19;
	v24 =	vld [tilespmem:$0x8600]  }
0xa0: {  	[tilespmem:$0xAD00] =	vst v20;
	v25 =	vld [tilespmem:$0x8610]  }
0xa1: {  	v26 =	vld [tilespmem:$0x8680];
	[tilespmem:$0xAD10] =	vst v21  }
0xa2: {  	v27 =	vld [tilespmem:$0x8690];
	[tilespmem:$0xAD80] =	vst v22  }
0xa3: {  	v28 =	vld [tilespmem:$0x8700];
	[tilespmem:$0xAD90] =	vst v23  }
0xa4: {  	v29 =	vld [tilespmem:$0x8710];
	[tilespmem:$0xAE00] =	vst v24  }
0xa5: {  	v30 =	vld [tilespmem:$0x8780];
	[tilespmem:$0xAE10] =	vst v25  }
0xa6: {  	v31 =	vld [tilespmem:$0x8790];
	[tilespmem:$0xAE80] =	vst v26  }
0xa7: {  	v32 =	vld [tilespmem:$0x8800];
	[tilespmem:$0xAE90] =	vst v27  }
0xa8: {  	v33 =	vld [tilespmem:$0x8810];
	[tilespmem:$0xAF00] =	vst v28  }
0xa9: {  	v34 =	vld [tilespmem:$0x8880];
	[tilespmem:$0xAF10] =	vst v29  }
0xaa: {  	v35 =	vld [tilespmem:$0x8890];
	[tilespmem:$0xAF80] =	vst v30  }
0xab: {  	v36 =	vld [tilespmem:$0x8900];
	[tilespmem:$0xAF90] =	vst v31  }
0xac: {  	v37 =	vld [tilespmem:$0x8910];
	[tilespmem:$0xB000] =	vst v32  }
0xad: {  	v38 =	vld [tilespmem:$0x8980];
	[tilespmem:$0xB010] =	vst v33  }
0xae: {  	v39 =	vld [tilespmem:$0x8990];
	[tilespmem:$0xB080] =	vst v34  }
0xaf: {  	v40 =	vld [tilespmem:$0x8A00];
	[tilespmem:$0xB090] =	vst v35  }
0xb0: {  	v41 =	vld [tilespmem:$0x8A10];
	[tilespmem:$0xB100] =	vst v36  }
0xb1: {  	v42 =	vld [tilespmem:$0x8A80];
	[tilespmem:$0xB110] =	vst v37  }
0xb2: {  	v43 =	vld [tilespmem:$0x8A90];
	[tilespmem:$0xB180] =	vst v38  }
0xb3: {  	v44 =	vld [tilespmem:$0x8B00];
	[tilespmem:$0xB190] =	vst v39  }
0xb4: {  	v45 =	vld [tilespmem:$0x8B10];
	[tilespmem:$0xB200] =	vst v40  }
0xb5: {  	v46 =	vld [tilespmem:$0x8B80];
	[tilespmem:$0xB210] =	vst v41  }
0xb6: {  	v47 =	vld [tilespmem:$0x8B90];
	[tilespmem:$0xB280] =	vst v42  }
0xb7: {  	v48 =	vld [tilespmem:$0x8C00];
	[tilespmem:$0xB290] =	vst v43  }
0xb8: {  	v49 =	vld [tilespmem:$0x8C10];
	[tilespmem:$0xB300] =	vst v44  }
0xb9: {  	v50 =	vld [tilespmem:$0x8C80];
	[tilespmem:$0xB310] =	vst v45  }
0xba: {  	v51 =	vld [tilespmem:$0x8C90];
	[tilespmem:$0xB380] =	vst v46  }
0xbb: {  	v52 =	vld [tilespmem:$0x8D00];
	[tilespmem:$0xB390] =	vst v47  }
0xbc: {  	v53 =	vld [tilespmem:$0x8D10];
	[tilespmem:$0xB400] =	vst v48  }
0xbd: {  	v54 =	vld [tilespmem:$0x8D80];
	[tilespmem:$0xB410] =	vst v49  }
0xbe: {  	v55 =	vld [tilespmem:$0x8D90];
	[tilespmem:$0xB480] =	vst v50  }
0xbf: {  	v56 =	vld [tilespmem:$0x8E00];
	[tilespmem:$0xB490] =	vst v51  }
0xc0: {  	v57 =	vld [tilespmem:$0x8E10];
	[tilespmem:$0xB500] =	vst v52  }
0xc1: {  	v58 =	vld [tilespmem:$0x8E80];
	[tilespmem:$0xB510] =	vst v53  }
0xc2: {  	v59 =	vld [tilespmem:$0x8E90];
	[tilespmem:$0xB580] =	vst v54  }
0xc3: {  	v60 =	vld [tilespmem:$0x8F00];
	[tilespmem:$0xB590] =	vst v55  }
0xc4: {  	v61 =	vld [tilespmem:$0x8F10];
	[tilespmem:$0xB600] =	vst v56  }
0xc5: {  	v62 =	vld [tilespmem:$0x8F80];
	[tilespmem:$0xB610] =	vst v57  }
0xc6: {  	v63 =	vld [tilespmem:$0x8F90];
	[tilespmem:$0xB680] =	vst v58  }
0xc7: {  	[tilespmem:$0xB690] =	vst v59  }
0xc8: {  	[tilespmem:$0xB700] =	vst v60  }
0xc9: {  	[tilespmem:$0xB710] =	vst v61  }
0xca: {  	[tilespmem:$0xB780] =	vst v62  }
0xcb: {  	[tilespmem:$0xB790] =	vst v63  }
0xcc: {  	[spmem:s1] =	stream.indirect.scatter.add.f32 [tilespmem:s16], [sflag:$0x3], $0x80, s3, s19, $0xb8;
	[tilespmem:$0x1F800] =	vst v63  }
0xcd: {  	_ =	swait.ge [sflag:s15], $0x2800  }
0xce: {  	s23 =	smov.u32 s13;
	[sflag:s15] =	ssyncset.done $0x0  }
0xcf: {  	s24 =	simm.s32 $0x0;
	s25 =	smov.u32 s12;
	[sflag:s15] =	ssyncadd.s32 $0xFFFFD800  }
.LBB2_2:
0xd0: {  	s26 =	sshrl.u32 s23, $0x3  }
0xd1: {  	s26 =	sadd.s32 s4, s26  }
0xd2: {  	[tilespmem:s18], [sflag:$0x2] =	stream.linear.gather [hbm4b:s26+s3], $0x2800, $0x38;
	[tilespmem:$0x1F800] =	vst v63  }
0xd3: {  	_ =	swait.ge [sflag:s20], $0x2800  }
0xd4: {  	[sflag:s20] =	ssyncset.done $0x0  }
0xd5: {  	[sflag:s20] =	ssyncadd.s32 $0xFFFFD800  }
0xd6: {  	v0 =	vld [tilespmem:$0x4000]  }
0xd7: {  	v1 =	vld [tilespmem:$0x4010]  }
0xd8: {  	v2 =	vld [tilespmem:$0x4080]  }
0xd9: {  	v3 =	vld [tilespmem:$0x4090]  }
0xda: {  	v4 =	vld [tilespmem:$0x4100]  }
0xdb: {  	v30 =	vld [tilespmem:$0x4110];
	[tilespmem:$0x9000] =	vst v0  }
0xdc: {  	v31 =	vld [tilespmem:$0x4180];
	[tilespmem:$0x9010] =	vst v1  }
0xdd: {  	v32 =	vld [tilespmem:$0x4190];
	[tilespmem:$0x9080] =	vst v2  }
0xde: {  	v33 =	vld [tilespmem:$0x4200];
	[tilespmem:$0x9090] =	vst v3  }
0xdf: {  	v34 =	vld [tilespmem:$0x4210];
	[tilespmem:$0x9100] =	vst v4  }
0xe0: {  	v35 =	vld [tilespmem:$0x4280];
	[tilespmem:$0x9110] =	vst v30  }
0xe1: {  	v36 =	vld [tilespmem:$0x4290];
	[tilespmem:$0x9180] =	vst v31  }
0xe2: {  	v37 =	vld [tilespmem:$0x4300];
	[tilespmem:$0x9190] =	vst v32  }
0xe3: {  	v38 =	vld [tilespmem:$0x4310];
	[tilespmem:$0x9200] =	vst v33  }
0xe4: {  	v39 =	vld [tilespmem:$0x4380];
	[tilespmem:$0x9210] =	vst v34  }
0xe5: {  	v40 =	vld [tilespmem:$0x4390];
	[tilespmem:$0x9280] =	vst v35  }
0xe6: {  	v41 =	vld [tilespmem:$0x4400];
	[tilespmem:$0x9290] =	vst v36  }
0xe7: {  	v42 =	vld [tilespmem:$0x4410];
	[tilespmem:$0x9300] =	vst v37  }
0xe8: {  	v43 =	vld [tilespmem:$0x4480];
	[tilespmem:$0x9310] =	vst v38  }
0xe9: {  	v44 =	vld [tilespmem:$0x4490];
	[tilespmem:$0x9380] =	vst v39  }
0xea: {  	v45 =	vld [tilespmem:$0x4500];
	[tilespmem:$0x9390] =	vst v40  }
0xeb: {  	v46 =	vld [tilespmem:$0x4510];
	[tilespmem:$0x9400] =	vst v41  }
0xec: {  	v47 =	vld [tilespmem:$0x4580];
	[tilespmem:$0x9410] =	vst v42  }
0xed: {  	v48 =	vld [tilespmem:$0x4590];
	[tilespmem:$0x9480] =	vst v43  }
0xee: {  	v49 =	vld [tilespmem:$0x4600];
	[tilespmem:$0x9490] =	vst v44  }
0xef: {  	v50 =	vld [tilespmem:$0x4610];
	[tilespmem:$0x9500] =	vst v45  }
0xf0: {  	v51 =	vld [tilespmem:$0x4680];
	[tilespmem:$0x9510] =	vst v46  }
0xf1: {  	v52 =	vld [tilespmem:$0x4690];
	[tilespmem:$0x9580] =	vst v47  }
0xf2: {  	v53 =	vld [tilespmem:$0x4700];
	[tilespmem:$0x9590] =	vst v48  }
0xf3: {  	v54 =	vld [tilespmem:$0x4710];
	[tilespmem:$0x9600] =	vst v49  }
0xf4: {  	v55 =	vld [tilespmem:$0x4780];
	[tilespmem:$0x9610] =	vst v50  }
0xf5: {  	v56 =	vld [tilespmem:$0x4790];
	[tilespmem:$0x9680] =	vst v51  }
0xf6: {  	v57 =	vld [tilespmem:$0x4800];
	[tilespmem:$0x9690] =	vst v52  }
0xf7: {  	v58 =	vld [tilespmem:$0x4810];
	[tilespmem:$0x9700] =	vst v53  }
0xf8: {  	v59 =	vld [tilespmem:$0x4880];
	[tilespmem:$0x9710] =	vst v54  }
0xf9: {  	v60 =	vld [tilespmem:$0x4890];
	[tilespmem:$0x9780] =	vst v55  }
0xfa: {  	v61 =	vld [tilespmem:$0x4900];
	[tilespmem:$0x9790] =	vst v56  }
0xfb: {  	v62 =	vld [tilespmem:$0x4910];
	[tilespmem:$0x9800] =	vst v57  }
0xfc: {  	v63 =	vld [tilespmem:$0x4980];
	[tilespmem:$0x9810] =	vst v58  }
0xfd: {  	v8 =	vld [tilespmem:$0x4990];
	[tilespmem:$0x9880] =	vst v59  }
0xfe: {  	v9 =	vld [tilespmem:$0x4A00];
	[tilespmem:$0x9890] =	vst v60  }
0xff: {  	v10 =	vld [tilespmem:$0x4A10];
	[tilespmem:$0x9900] =	vst v61  }
0x100: {  	v11 =	vld [tilespmem:$0x4A80];
	[tilespmem:$0x9910] =	vst v62  }
0x101: {  	v12 =	vld [tilespmem:$0x4A90];
	[tilespmem:$0x9980] =	vst v63  }
0x102: {  	v13 =	vld [tilespmem:$0x4B00];
	[tilespmem:$0x9990] =	vst v8  }
0x103: {  	v14 =	vld [tilespmem:$0x4B10];
	[tilespmem:$0x9A00] =	vst v9  }
0x104: {  	v15 =	vld [tilespmem:$0x4B80];
	[tilespmem:$0x9A10] =	vst v10  }
0x105: {  	v16 =	vld [tilespmem:$0x4B90];
	[tilespmem:$0x9A80] =	vst v11  }
0x106: {  	v17 =	vld [tilespmem:$0x4C00];
	[tilespmem:$0x9A90] =	vst v12  }
0x107: {  	v18 =	vld [tilespmem:$0x4C10];
	[tilespmem:$0x9B00] =	vst v13  }
0x108: {  	v19 =	vld [tilespmem:$0x4C80];
	[tilespmem:$0x9B10] =	vst v14  }
0x109: {  	v20 =	vld [tilespmem:$0x4C90];
	[tilespmem:$0x9B80] =	vst v15  }
0x10a: {  	v21 =	vld [tilespmem:$0x4D00];
	[tilespmem:$0x9B90] =	vst v16  }
0x10b: {  	v22 =	vld [tilespmem:$0x4D10];
	[tilespmem:$0x9C00] =	vst v17  }
0x10c: {  	v23 =	vld [tilespmem:$0x4D80];
	[tilespmem:$0x9C10] =	vst v18  }
0x10d: {  	v24 =	vld [tilespmem:$0x4D90];
	[tilespmem:$0x9C80] =	vst v19  }
0x10e: {  	v25 =	vld [tilespmem:$0x4E00];
	[tilespmem:$0x9C90] =	vst v20  }
0x10f: {  	v26 =	vld [tilespmem:$0x4E10];
	[tilespmem:$0x9D00] =	vst v21  }
0x110: {  	v27 =	vld [tilespmem:$0x4E80];
	[tilespmem:$0x9D10] =	vst v22  }
0x111: {  	v28 =	vld [tilespmem:$0x4E90];
	[tilespmem:$0x9D80] =	vst v23  }
0x112: {  	v29 =	vld [tilespmem:$0x4F00];
	[tilespmem:$0x9D90] =	vst v24  }
0x113: {  	[tilespmem:$0x9E00] =	vst v25;
	v30 =	vld [tilespmem:$0x4F10]  }
0x114: {  	[tilespmem:$0x9E10] =	vst v26;
	v31 =	vld [tilespmem:$0x4F80]  }
0x115: {  	[tilespmem:$0x9E80] =	vst v27;
	v32 =	vld [tilespmem:$0x4F90]  }
0x116: {  	[tilespmem:$0x9E90] =	vst v28;
	v33 =	vld [tilespmem:$0x5000]  }
0x117: {  	[tilespmem:$0x9F00] =	vst v29;
	v34 =	vld [tilespmem:$0x5010]  }
0x118: {  	v35 =	vld [tilespmem:$0x5080];
	[tilespmem:$0x9F10] =	vst v30  }
0x119: {  	v36 =	vld [tilespmem:$0x5090];
	[tilespmem:$0x9F80] =	vst v31  }
0x11a: {  	v37 =	vld [tilespmem:$0x5100];
	[tilespmem:$0x9F90] =	vst v32  }
0x11b: {  	v38 =	vld [tilespmem:$0x5110];
	[tilespmem:$0xA000] =	vst v33  }
0x11c: {  	v39 =	vld [tilespmem:$0x5180];
	[tilespmem:$0xA010] =	vst v34  }
0x11d: {  	v40 =	vld [tilespmem:$0x5190];
	[tilespmem:$0xA080] =	vst v35  }
0x11e: {  	v41 =	vld [tilespmem:$0x5200];
	[tilespmem:$0xA090] =	vst v36  }
0x11f: {  	v42 =	vld [tilespmem:$0x5210];
	[tilespmem:$0xA100] =	vst v37  }
0x120: {  	v43 =	vld [tilespmem:$0x5280];
	[tilespmem:$0xA110] =	vst v38  }
0x121: {  	[tilespmem:$0xA180] =	vst v39  }
0x122: {  	[tilespmem:$0xA190] =	vst v40  }
0x123: {  	[tilespmem:$0xA200] =	vst v41  }
0x124: {  	[tilespmem:$0xA210] =	vst v42  }
0x125: {  	[tilespmem:$0xA280] =	vst v43  }
0x126: {  	v44 =	vld [tilespmem:$0x5290]  }
0x127: {  	v45 =	vld [tilespmem:$0x5300]  }
0x128: {  	v46 =	vld [tilespmem:$0x5310]  }
0x129: {  	v47 =	vld [tilespmem:$0x5380]  }
0x12a: {  	v4 =	vld [tilespmem:$0x5390]  }
0x12b: {  	v48 =	vld [tilespmem:$0x5400];
	[tilespmem:$0xA290] =	vst v44  }
0x12c: {  	v49 =	vld [tilespmem:$0x5410];
	[tilespmem:$0xA300] =	vst v45  }
0x12d: {  	v50 =	vld [tilespmem:$0x5480];
	[tilespmem:$0xA310] =	vst v46  }
0x12e: {  	v51 =	vld [tilespmem:$0x5490];
	[tilespmem:$0xA380] =	vst v47  }
0x12f: {  	v52 =	vld [tilespmem:$0x5500];
	[tilespmem:$0xA390] =	vst v4  }
0x130: {  	v53 =	vld [tilespmem:$0x5510];
	[tilespmem:$0xA400] =	vst v48  }
0x131: {  	v54 =	vld [tilespmem:$0x5580];
	[tilespmem:$0xA410] =	vst v49  }
0x132: {  	v55 =	vld [tilespmem:$0x5590];
	[tilespmem:$0xA480] =	vst v50  }
0x133: {  	v56 =	vld [tilespmem:$0x5600];
	[tilespmem:$0xA490] =	vst v51  }
0x134: {  	v57 =	vld [tilespmem:$0x5610];
	[tilespmem:$0xA500] =	vst v52  }
0x135: {  	v58 =	vld [tilespmem:$0x5680];
	[tilespmem:$0xA510] =	vst v53  }
0x136: {  	v59 =	vld [tilespmem:$0x5690];
	[tilespmem:$0xA580] =	vst v54  }
0x137: {  	v60 =	vld [tilespmem:$0x5700];
	[tilespmem:$0xA590] =	vst v55  }
0x138: {  	v61 =	vld [tilespmem:$0x5710];
	[tilespmem:$0xA600] =	vst v56  }
0x139: {  	v62 =	vld [tilespmem:$0x5780];
	[tilespmem:$0xA610] =	vst v57  }
0x13a: {  	v63 =	vld [tilespmem:$0x5790];
	[tilespmem:$0xA680] =	vst v58  }
0x13b: {  	v8 =	vld [tilespmem:$0x5800];
	[tilespmem:$0xA690] =	vst v59  }
0x13c: {  	v9 =	vld [tilespmem:$0x5810];
	[tilespmem:$0xA700] =	vst v60  }
0x13d: {  	v10 =	vld [tilespmem:$0x5880];
	[tilespmem:$0xA710] =	vst v61  }
0x13e: {  	v11 =	vld [tilespmem:$0x5890];
	[tilespmem:$0xA780] =	vst v62  }
0x13f: {  	v12 =	vld [tilespmem:$0x5900];
	[tilespmem:$0xA790] =	vst v63  }
0x140: {  	v13 =	vld [tilespmem:$0x5910];
	[tilespmem:$0xA800] =	vst v8  }
0x141: {  	v14 =	vld [tilespmem:$0x5980];
	[tilespmem:$0xA810] =	vst v9  }
0x142: {  	v15 =	vld [tilespmem:$0x5990];
	[tilespmem:$0xA880] =	vst v10  }
0x143: {  	v16 =	vld [tilespmem:$0x5A00];
	[tilespmem:$0xA890] =	vst v11  }
0x144: {  	v17 =	vld [tilespmem:$0x5A10];
	[tilespmem:$0xA900] =	vst v12  }
0x145: {  	v18 =	vld [tilespmem:$0x5A80];
	[tilespmem:$0xA910] =	vst v13  }
0x146: {  	v19 =	vld [tilespmem:$0x5A90];
	[tilespmem:$0xA980] =	vst v14  }
0x147: {  	v20 =	vld [tilespmem:$0x5B00];
	[tilespmem:$0xA990] =	vst v15  }
0x148: {  	v21 =	vld [tilespmem:$0x5B10];
	[tilespmem:$0xAA00] =	vst v16  }
0x149: {  	v22 =	vld [tilespmem:$0x5B80];
	[tilespmem:$0xAA10] =	vst v17  }
0x14a: {  	v23 =	vld [tilespmem:$0x5B90];
	[tilespmem:$0xAA80] =	vst v18  }
0x14b: {  	v24 =	vld [tilespmem:$0x5C00];
	[tilespmem:$0xAA90] =	vst v19  }
0x14c: {  	v25 =	vld [tilespmem:$0x5C10];
	[tilespmem:$0xAB00] =	vst v20  }
0x14d: {  	v26 =	vld [tilespmem:$0x5C80];
	[tilespmem:$0xAB10] =	vst v21  }
0x14e: {  	v27 =	vld [tilespmem:$0x5C90];
	[tilespmem:$0xAB80] =	vst v22  }
0x14f: {  	v28 =	vld [tilespmem:$0x5D00];
	[tilespmem:$0xAB90] =	vst v23  }
0x150: {  	v29 =	vld [tilespmem:$0x5D10];
	[tilespmem:$0xAC00] =	vst v24  }
0x151: {  	v30 =	vld [tilespmem:$0x5D80];
	[tilespmem:$0xAC10] =	vst v25  }
0x152: {  	v31 =	vld [tilespmem:$0x5D90];
	[tilespmem:$0xAC80] =	vst v26  }
0x153: {  	v32 =	vld [tilespmem:$0x5E00];
	[tilespmem:$0xAC90] =	vst v27  }
0x154: {  	v33 =	vld [tilespmem:$0x5E10];
	[tilespmem:$0xAD00] =	vst v28  }
0x155: {  	v34 =	vld [tilespmem:$0x5E80];
	[tilespmem:$0xAD10] =	vst v29  }
0x156: {  	v35 =	vld [tilespmem:$0x5E90];
	[tilespmem:$0xAD80] =	vst v30  }
0x157: {  	v36 =	vld [tilespmem:$0x5F00];
	[tilespmem:$0xAD90] =	vst v31  }
0x158: {  	v37 =	vld [tilespmem:$0x5F10];
	[tilespmem:$0xAE00] =	vst v32  }
0x159: {  	v38 =	vld [tilespmem:$0x5F80];
	[tilespmem:$0xAE10] =	vst v33  }
0x15a: {  	v39 =	vld [tilespmem:$0x5F90];
	[tilespmem:$0xAE80] =	vst v34  }
0x15b: {  	v40 =	vld [tilespmem:$0x6000];
	[tilespmem:$0xAE90] =	vst v35  }
0x15c: {  	v41 =	vld [tilespmem:$0x6010];
	[tilespmem:$0xAF00] =	vst v36  }
0x15d: {  	v42 =	vld [tilespmem:$0x6080];
	[tilespmem:$0xAF10] =	vst v37  }
0x15e: {  	v43 =	vld [tilespmem:$0x6090];
	[tilespmem:$0xAF80] =	vst v38  }
0x15f: {  	[tilespmem:$0xAF90] =	vst v39;
	v44 =	vld [tilespmem:$0x6100]  }
0x160: {  	[tilespmem:$0xB000] =	vst v40;
	v45 =	vld [tilespmem:$0x6110]  }
0x161: {  	[tilespmem:$0xB010] =	vst v41;
	v46 =	vld [tilespmem:$0x6180]  }
0x162: {  	[tilespmem:$0xB080] =	vst v42;
	v47 =	vld [tilespmem:$0x6190]  }
0x163: {  	[tilespmem:$0xB090] =	vst v43;
	v48 =	vld [tilespmem:$0x6200]  }
0x164: {  	v49 =	vld [tilespmem:$0x6210];
	[tilespmem:$0xB100] =	vst v44  }
0x165: {  	v50 =	vld [tilespmem:$0x6280];
	[tilespmem:$0xB110] =	vst v45  }
0x166: {  	v51 =	vld [tilespmem:$0x6290];
	[tilespmem:$0xB180] =	vst v46  }
0x167: {  	v52 =	vld [tilespmem:$0x6300];
	[tilespmem:$0xB190] =	vst v47  }
0x168: {  	v53 =	vld [tilespmem:$0x6310];
	[tilespmem:$0xB200] =	vst v48  }
0x169: {  	v54 =	vld [tilespmem:$0x6380];
	[tilespmem:$0xB210] =	vst v49  }
0x16a: {  	v55 =	vld [tilespmem:$0x6390];
	[tilespmem:$0xB280] =	vst v50  }
0x16b: {  	v56 =	vld [tilespmem:$0x6400];
	[tilespmem:$0xB290] =	vst v51  }
0x16c: {  	v57 =	vld [tilespmem:$0x6410];
	[tilespmem:$0xB300] =	vst v52  }
0x16d: {  	v58 =	vld [tilespmem:$0x6480];
	[tilespmem:$0xB310] =	vst v53  }
0x16e: {  	v59 =	vld [tilespmem:$0x6490];
	[tilespmem:$0xB380] =	vst v54  }
0x16f: {  	v60 =	vld [tilespmem:$0x6500];
	[tilespmem:$0xB390] =	vst v55  }
0x170: {  	v61 =	vld [tilespmem:$0x6510];
	[tilespmem:$0xB400] =	vst v56  }
0x171: {  	v62 =	vld [tilespmem:$0x6580];
	[tilespmem:$0xB410] =	vst v57  }
0x172: {  	v63 =	vld [tilespmem:$0x6590];
	[tilespmem:$0xB480] =	vst v58  }
0x173: {  	v8 =	vld [tilespmem:$0x6600];
	[tilespmem:$0xB490] =	vst v59  }
0x174: {  	v9 =	vld [tilespmem:$0x6610];
	[tilespmem:$0xB500] =	vst v60  }
0x175: {  	v10 =	vld [tilespmem:$0x6680];
	[tilespmem:$0xB510] =	vst v61  }
0x176: {  	v11 =	vld [tilespmem:$0x6690];
	[tilespmem:$0xB580] =	vst v62  }
0x177: {  	v12 =	vld [tilespmem:$0x6700];
	[tilespmem:$0xB590] =	vst v63  }
0x178: {  	v13 =	vld [tilespmem:$0x6710];
	[tilespmem:$0xB600] =	vst v8  }
0x179: {  	v14 =	vld [tilespmem:$0x6780];
	[tilespmem:$0xB610] =	vst v9  }
0x17a: {  	v15 =	vld [tilespmem:$0x6790];
	[tilespmem:$0xB680] =	vst v10  }
0x17b: {  	[tilespmem:$0xB690] =	vst v11  }
0x17c: {  	[tilespmem:$0xB700] =	vst v12  }
0x17d: {  	[tilespmem:$0xB710] =	vst v13  }
0x17e: {  	s31 =	sshra.s32 s24, $0x2;
	[tilespmem:$0xB780] =	vst v14  }
0x17f: {  	s28 =	sadd.s32 $0x80, s31;
	[tilespmem:$0xB790] =	vst v15  }
0x180: {  	[spmem:s1] =	stream.indirect.scatter.add.f32 [tilespmem:s16], [sflag:$0x3], $0x80, s28, s19, $0xb8;
	[tilespmem:$0x1F800] =	vst v63  }
0x181: {  	_ =	swait.ge [sflag:s15], $0x2800  }
0x182: {  	p0 =	seq.s32 s24, $0xF400;
	[sflag:s15] =	ssyncset.done $0x0  }
0x183: {  	s29 =	simm.s32 @!p0 $0x4000;
	s28 =	simm.s32 @!p0 $0x0;
	[sflag:s15] =	ssyncadd.s32 $0xFFFFD800  }
0x184: {  	[tilespmem:s29], [sflag:$0x1] =	stream.linear.gather @!p0 [hbm4b:s25+s28], $0x2800, $0x38;
	[tilespmem:$0x1F800] =	vst v63  }
0x185: {  	_ =	swait.ge [sflag:s21], $0x2800  }
0x186: {  	[sflag:s21] =	ssyncset.done $0x0  }
0x187: {  	[sflag:s21] =	ssyncadd.s32 $0xFFFFD800  }
0x188: {  	v16 =	vld [tilespmem:$0x6800]  }
0x189: {  	v17 =	vld [tilespmem:$0x6810]  }
0x18a: {  	v18 =	vld [tilespmem:$0x6880]  }
0x18b: {  	v19 =	vld [tilespmem:$0x6890]  }
0x18c: {  	v20 =	vld [tilespmem:$0x6900]  }
0x18d: {  	v21 =	vld [tilespmem:$0x6910];
	[tilespmem:$0x9000] =	vst v16  }
0x18e: {  	v22 =	vld [tilespmem:$0x6980];
	[tilespmem:$0x9010] =	vst v17  }
0x18f: {  	v23 =	vld [tilespmem:$0x6990];
	[tilespmem:$0x9080] =	vst v18  }
0x190: {  	v24 =	vld [tilespmem:$0x6A00];
	[tilespmem:$0x9090] =	vst v19  }
0x191: {  	v25 =	vld [tilespmem:$0x6A10];
	[tilespmem:$0x9100] =	vst v20  }
0x192: {  	v26 =	vld [tilespmem:$0x6A80];
	[tilespmem:$0x9110] =	vst v21  }
0x193: {  	v27 =	vld [tilespmem:$0x6A90];
	[tilespmem:$0x9180] =	vst v22  }
0x194: {  	v28 =	vld [tilespmem:$0x6B00];
	[tilespmem:$0x9190] =	vst v23  }
0x195: {  	v29 =	vld [tilespmem:$0x6B10];
	[tilespmem:$0x9200] =	vst v24  }
0x196: {  	v30 =	vld [tilespmem:$0x6B80];
	[tilespmem:$0x9210] =	vst v25  }
0x197: {  	v31 =	vld [tilespmem:$0x6B90];
	[tilespmem:$0x9280] =	vst v26  }
0x198: {  	v32 =	vld [tilespmem:$0x6C00];
	[tilespmem:$0x9290] =	vst v27  }
0x199: {  	v33 =	vld [tilespmem:$0x6C10];
	[tilespmem:$0x9300] =	vst v28  }
0x19a: {  	v34 =	vld [tilespmem:$0x6C80];
	[tilespmem:$0x9310] =	vst v29  }
0x19b: {  	v35 =	vld [tilespmem:$0x6C90];
	[tilespmem:$0x9380] =	vst v30  }
0x19c: {  	v36 =	vld [tilespmem:$0x6D00];
	[tilespmem:$0x9390] =	vst v31  }
0x19d: {  	v37 =	vld [tilespmem:$0x6D10];
	[tilespmem:$0x9400] =	vst v32  }
0x19e: {  	v38 =	vld [tilespmem:$0x6D80];
	[tilespmem:$0x9410] =	vst v33  }
0x19f: {  	v39 =	vld [tilespmem:$0x6D90];
	[tilespmem:$0x9480] =	vst v34  }
0x1a0: {  	v40 =	vld [tilespmem:$0x6E00];
	[tilespmem:$0x9490] =	vst v35  }
0x1a1: {  	v41 =	vld [tilespmem:$0x6E10];
	[tilespmem:$0x9500] =	vst v36  }
0x1a2: {  	v42 =	vld [tilespmem:$0x6E80];
	[tilespmem:$0x9510] =	vst v37  }
0x1a3: {  	v43 =	vld [tilespmem:$0x6E90];
	[tilespmem:$0x9580] =	vst v38  }
0x1a4: {  	v44 =	vld [tilespmem:$0x6F00];
	[tilespmem:$0x9590] =	vst v39  }
0x1a5: {  	v45 =	vld [tilespmem:$0x6F10];
	[tilespmem:$0x9600] =	vst v40  }
0x1a6: {  	v46 =	vld [tilespmem:$0x6F80];
	[tilespmem:$0x9610] =	vst v41  }
0x1a7: {  	v47 =	vld [tilespmem:$0x6F90];
	[tilespmem:$0x9680] =	vst v42  }
0x1a8: {  	v48 =	vld [tilespmem:$0x7000];
	[tilespmem:$0x9690] =	vst v43  }
0x1a9: {  	v49 =	vld [tilespmem:$0x7010];
	[tilespmem:$0x9700] =	vst v44  }
0x1aa: {  	v50 =	vld [tilespmem:$0x7080];
	[tilespmem:$0x9710] =	vst v45  }
0x1ab: {  	v51 =	vld [tilespmem:$0x7090];
	[tilespmem:$0x9780] =	vst v46  }
0x1ac: {  	v52 =	vld [tilespmem:$0x7100];
	[tilespmem:$0x9790] =	vst v47  }
0x1ad: {  	v53 =	vld [tilespmem:$0x7110];
	[tilespmem:$0x9800] =	vst v48  }
0x1ae: {  	v54 =	vld [tilespmem:$0x7180];
	[tilespmem:$0x9810] =	vst v49  }
0x1af: {  	v55 =	vld [tilespmem:$0x7190];
	[tilespmem:$0x9880] =	vst v50  }
0x1b0: {  	v56 =	vld [tilespmem:$0x7200];
	[tilespmem:$0x9890] =	vst v51  }
0x1b1: {  	v57 =	vld [tilespmem:$0x7210];
	[tilespmem:$0x9900] =	vst v52  }
0x1b2: {  	v58 =	vld [tilespmem:$0x7280];
	[tilespmem:$0x9910] =	vst v53  }
0x1b3: {  	v59 =	vld [tilespmem:$0x7290];
	[tilespmem:$0x9980] =	vst v54  }
0x1b4: {  	v60 =	vld [tilespmem:$0x7300];
	[tilespmem:$0x9990] =	vst v55  }
0x1b5: {  	v61 =	vld [tilespmem:$0x7310];
	[tilespmem:$0x9A00] =	vst v56  }
0x1b6: {  	v62 =	vld [tilespmem:$0x7380];
	[tilespmem:$0x9A10] =	vst v57  }
0x1b7: {  	v63 =	vld [tilespmem:$0x7390];
	[tilespmem:$0x9A80] =	vst v58  }
0x1b8: {  	v8 =	vld [tilespmem:$0x7400];
	[tilespmem:$0x9A90] =	vst v59  }
0x1b9: {  	v9 =	vld [tilespmem:$0x7410];
	[tilespmem:$0x9B00] =	vst v60  }
0x1ba: {  	v10 =	vld [tilespmem:$0x7480];
	[tilespmem:$0x9B10] =	vst v61  }
0x1bb: {  	v11 =	vld [tilespmem:$0x7490];
	[tilespmem:$0x9B80] =	vst v62  }
0x1bc: {  	v12 =	vld [tilespmem:$0x7500];
	[tilespmem:$0x9B90] =	vst v63  }
0x1bd: {  	v13 =	vld [tilespmem:$0x7510];
	[tilespmem:$0x9C00] =	vst v8  }
0x1be: {  	v14 =	vld [tilespmem:$0x7580];
	[tilespmem:$0x9C10] =	vst v9  }
0x1bf: {  	v15 =	vld [tilespmem:$0x7590];
	[tilespmem:$0x9C80] =	vst v10  }
0x1c0: {  	[tilespmem:$0x9C90] =	vst v11;
	v16 =	vld [tilespmem:$0x7600]  }
0x1c1: {  	[tilespmem:$0x9D00] =	vst v12;
	v17 =	vld [tilespmem:$0x7610]  }
0x1c2: {  	[tilespmem:$0x9D10] =	vst v13;
	v18 =	vld [tilespmem:$0x7680]  }
0x1c3: {  	[tilespmem:$0x9D80] =	vst v14;
	v19 =	vld [tilespmem:$0x7690]  }
0x1c4: {  	[tilespmem:$0x9D90] =	vst v15;
	v20 =	vld [tilespmem:$0x7700]  }
0x1c5: {  	v21 =	vld [tilespmem:$0x7710];
	[tilespmem:$0x9E00] =	vst v16  }
0x1c6: {  	v22 =	vld [tilespmem:$0x7780];
	[tilespmem:$0x9E10] =	vst v17  }
0x1c7: {  	v23 =	vld [tilespmem:$0x7790];
	[tilespmem:$0x9E80] =	vst v18  }
0x1c8: {  	v24 =	vld [tilespmem:$0x7800];
	[tilespmem:$0x9E90] =	vst v19  }
0x1c9: {  	v25 =	vld [tilespmem:$0x7810];
	[tilespmem:$0x9F00] =	vst v20  }
0x1ca: {  	v26 =	vld [tilespmem:$0x7880];
	[tilespmem:$0x9F10] =	vst v21  }
0x1cb: {  	v27 =	vld [tilespmem:$0x7890];
	[tilespmem:$0x9F80] =	vst v22  }
0x1cc: {  	v28 =	vld [tilespmem:$0x7900];
	[tilespmem:$0x9F90] =	vst v23  }
0x1cd: {  	v29 =	vld [tilespmem:$0x7910];
	[tilespmem:$0xA000] =	vst v24  }
0x1ce: {  	v30 =	vld [tilespmem:$0x7980];
	[tilespmem:$0xA010] =	vst v25  }
0x1cf: {  	v31 =	vld [tilespmem:$0x7990];
	[tilespmem:$0xA080] =	vst v26  }
0x1d0: {  	v32 =	vld [tilespmem:$0x7A00];
	[tilespmem:$0xA090] =	vst v27  }
0x1d1: {  	v33 =	vld [tilespmem:$0x7A10];
	[tilespmem:$0xA100] =	vst v28  }
0x1d2: {  	v34 =	vld [tilespmem:$0x7A80];
	[tilespmem:$0xA110] =	vst v29  }
0x1d3: {  	v35 =	vld [tilespmem:$0x7A90];
	[tilespmem:$0xA180] =	vst v30  }
0x1d4: {  	v36 =	vld [tilespmem:$0x7B00];
	[tilespmem:$0xA190] =	vst v31  }
0x1d5: {  	v37 =	vld [tilespmem:$0x7B10];
	[tilespmem:$0xA200] =	vst v32  }
0x1d6: {  	v38 =	vld [tilespmem:$0x7B80];
	[tilespmem:$0xA210] =	vst v33  }
0x1d7: {  	v39 =	vld [tilespmem:$0x7B90];
	[tilespmem:$0xA280] =	vst v34  }
0x1d8: {  	v40 =	vld [tilespmem:$0x7C00];
	[tilespmem:$0xA290] =	vst v35  }
0x1d9: {  	v41 =	vld [tilespmem:$0x7C10];
	[tilespmem:$0xA300] =	vst v36  }
0x1da: {  	v42 =	vld [tilespmem:$0x7C80];
	[tilespmem:$0xA310] =	vst v37  }
0x1db: {  	v43 =	vld [tilespmem:$0x7C90];
	[tilespmem:$0xA380] =	vst v38  }
0x1dc: {  	v44 =	vld [tilespmem:$0x7D00];
	[tilespmem:$0xA390] =	vst v39  }
0x1dd: {  	v45 =	vld [tilespmem:$0x7D10];
	[tilespmem:$0xA400] =	vst v40  }
0x1de: {  	v46 =	vld [tilespmem:$0x7D80];
	[tilespmem:$0xA410] =	vst v41  }
0x1df: {  	v47 =	vld [tilespmem:$0x7D90];
	[tilespmem:$0xA480] =	vst v42  }
0x1e0: {  	v48 =	vld [tilespmem:$0x7E00];
	[tilespmem:$0xA490] =	vst v43  }
0x1e1: {  	v49 =	vld [tilespmem:$0x7E10];
	[tilespmem:$0xA500] =	vst v44  }
0x1e2: {  	v50 =	vld [tilespmem:$0x7E80];
	[tilespmem:$0xA510] =	vst v45  }
0x1e3: {  	v51 =	vld [tilespmem:$0x7E90];
	[tilespmem:$0xA580] =	vst v46  }
0x1e4: {  	v52 =	vld [tilespmem:$0x7F00];
	[tilespmem:$0xA590] =	vst v47  }
0x1e5: {  	v53 =	vld [tilespmem:$0x7F10];
	[tilespmem:$0xA600] =	vst v48  }
0x1e6: {  	v54 =	vld [tilespmem:$0x7F80];
	[tilespmem:$0xA610] =	vst v49  }
0x1e7: {  	v55 =	vld [tilespmem:$0x7F90];
	[tilespmem:$0xA680] =	vst v50  }
0x1e8: {  	v56 =	vld [tilespmem:$0x8000];
	[tilespmem:$0xA690] =	vst v51  }
0x1e9: {  	v57 =	vld [tilespmem:$0x8010];
	[tilespmem:$0xA700] =	vst v52  }
0x1ea: {  	v58 =	vld [tilespmem:$0x8080];
	[tilespmem:$0xA710] =	vst v53  }
0x1eb: {  	v59 =	vld [tilespmem:$0x8090];
	[tilespmem:$0xA780] =	vst v54  }
0x1ec: {  	v60 =	vld [tilespmem:$0x8100];
	[tilespmem:$0xA790] =	vst v55  }
0x1ed: {  	v61 =	vld [tilespmem:$0x8110];
	[tilespmem:$0xA800] =	vst v56  }
0x1ee: {  	v62 =	vld [tilespmem:$0x8180];
	[tilespmem:$0xA810] =	vst v57  }
0x1ef: {  	v63 =	vld [tilespmem:$0x8190];
	[tilespmem:$0xA880] =	vst v58  }
0x1f0: {  	v8 =	vld [tilespmem:$0x8200];
	[tilespmem:$0xA890] =	vst v59  }
0x1f1: {  	v9 =	vld [tilespmem:$0x8210];
	[tilespmem:$0xA900] =	vst v60  }
0x1f2: {  	v10 =	vld [tilespmem:$0x8280];
	[tilespmem:$0xA910] =	vst v61  }
0x1f3: {  	v11 =	vld [tilespmem:$0x8290];
	[tilespmem:$0xA980] =	vst v62  }
0x1f4: {  	v12 =	vld [tilespmem:$0x8300];
	[tilespmem:$0xA990] =	vst v63  }
0x1f5: {  	v13 =	vld [tilespmem:$0x8310];
	[tilespmem:$0xAA00] =	vst v8  }
0x1f6: {  	v14 =	vld [tilespmem:$0x8380];
	[tilespmem:$0xAA10] =	vst v9  }
0x1f7: {  	v15 =	vld [tilespmem:$0x8390];
	[tilespmem:$0xAA80] =	vst v10  }
0x1f8: {  	[tilespmem:$0xAA90] =	vst v11;
	v16 =	vld [tilespmem:$0x8400]  }
0x1f9: {  	[tilespmem:$0xAB00] =	vst v12;
	v17 =	vld [tilespmem:$0x8410]  }
0x1fa: {  	[tilespmem:$0xAB10] =	vst v13;
	v18 =	vld [tilespmem:$0x8480]  }
0x1fb: {  	[tilespmem:$0xAB80] =	vst v14;
	v19 =	vld [tilespmem:$0x8490]  }
0x1fc: {  	[tilespmem:$0xAB90] =	vst v15;
	v20 =	vld [tilespmem:$0x8500]  }
0x1fd: {  	v21 =	vld [tilespmem:$0x8510];
	[tilespmem:$0xAC00] =	vst v16  }
0x1fe: {  	v22 =	vld [tilespmem:$0x8580];
	[tilespmem:$0xAC10] =	vst v17  }
0x1ff: {  	v23 =	vld [tilespmem:$0x8590];
	[tilespmem:$0xAC80] =	vst v18  }
0x200: {  	v24 =	vld [tilespmem:$0x8600];
	[tilespmem:$0xAC90] =	vst v19  }
0x201: {  	v25 =	vld [tilespmem:$0x8610];
	[tilespmem:$0xAD00] =	vst v20  }
0x202: {  	v26 =	vld [tilespmem:$0x8680];
	[tilespmem:$0xAD10] =	vst v21  }
0x203: {  	v27 =	vld [tilespmem:$0x8690];
	[tilespmem:$0xAD80] =	vst v22  }
0x204: {  	v28 =	vld [tilespmem:$0x8700];
	[tilespmem:$0xAD90] =	vst v23  }
0x205: {  	v29 =	vld [tilespmem:$0x8710];
	[tilespmem:$0xAE00] =	vst v24  }
0x206: {  	v30 =	vld [tilespmem:$0x8780];
	[tilespmem:$0xAE10] =	vst v25  }
0x207: {  	v31 =	vld [tilespmem:$0x8790];
	[tilespmem:$0xAE80] =	vst v26  }
0x208: {  	v32 =	vld [tilespmem:$0x8800];
	[tilespmem:$0xAE90] =	vst v27  }
0x209: {  	v33 =	vld [tilespmem:$0x8810];
	[tilespmem:$0xAF00] =	vst v28  }
0x20a: {  	v34 =	vld [tilespmem:$0x8880];
	[tilespmem:$0xAF10] =	vst v29  }
0x20b: {  	v35 =	vld [tilespmem:$0x8890];
	[tilespmem:$0xAF80] =	vst v30  }
0x20c: {  	v36 =	vld [tilespmem:$0x8900];
	[tilespmem:$0xAF90] =	vst v31  }
0x20d: {  	v37 =	vld [tilespmem:$0x8910];
	[tilespmem:$0xB000] =	vst v32  }
0x20e: {  	v38 =	vld [tilespmem:$0x8980];
	[tilespmem:$0xB010] =	vst v33  }
0x20f: {  	v39 =	vld [tilespmem:$0x8990];
	[tilespmem:$0xB080] =	vst v34  }
0x210: {  	v40 =	vld [tilespmem:$0x8A00];
	[tilespmem:$0xB090] =	vst v35  }
0x211: {  	v41 =	vld [tilespmem:$0x8A10];
	[tilespmem:$0xB100] =	vst v36  }
0x212: {  	v42 =	vld [tilespmem:$0x8A80];
	[tilespmem:$0xB110] =	vst v37  }
0x213: {  	v43 =	vld [tilespmem:$0x8A90];
	[tilespmem:$0xB180] =	vst v38  }
0x214: {  	v44 =	vld [tilespmem:$0x8B00];
	[tilespmem:$0xB190] =	vst v39  }
0x215: {  	v45 =	vld [tilespmem:$0x8B10];
	[tilespmem:$0xB200] =	vst v40  }
0x216: {  	v46 =	vld [tilespmem:$0x8B80];
	[tilespmem:$0xB210] =	vst v41  }
0x217: {  	v47 =	vld [tilespmem:$0x8B90];
	[tilespmem:$0xB280] =	vst v42  }
0x218: {  	v48 =	vld [tilespmem:$0x8C00];
	[tilespmem:$0xB290] =	vst v43  }
0x219: {  	v49 =	vld [tilespmem:$0x8C10];
	[tilespmem:$0xB300] =	vst v44  }
0x21a: {  	v50 =	vld [tilespmem:$0x8C80];
	[tilespmem:$0xB310] =	vst v45  }
0x21b: {  	v51 =	vld [tilespmem:$0x8C90];
	[tilespmem:$0xB380] =	vst v46  }
0x21c: {  	v52 =	vld [tilespmem:$0x8D00];
	[tilespmem:$0xB390] =	vst v47  }
0x21d: {  	v53 =	vld [tilespmem:$0x8D10];
	[tilespmem:$0xB400] =	vst v48  }
0x21e: {  	v54 =	vld [tilespmem:$0x8D80];
	[tilespmem:$0xB410] =	vst v49  }
0x21f: {  	v55 =	vld [tilespmem:$0x8D90];
	[tilespmem:$0xB480] =	vst v50  }
0x220: {  	v56 =	vld [tilespmem:$0x8E00];
	[tilespmem:$0xB490] =	vst v51  }
0x221: {  	v57 =	vld [tilespmem:$0x8E10];
	[tilespmem:$0xB500] =	vst v52  }
0x222: {  	v58 =	vld [tilespmem:$0x8E80];
	[tilespmem:$0xB510] =	vst v53  }
0x223: {  	v59 =	vld [tilespmem:$0x8E90];
	[tilespmem:$0xB580] =	vst v54  }
0x224: {  	v60 =	vld [tilespmem:$0x8F00];
	[tilespmem:$0xB590] =	vst v55  }
0x225: {  	v61 =	vld [tilespmem:$0x8F10];
	[tilespmem:$0xB600] =	vst v56  }
0x226: {  	v62 =	vld [tilespmem:$0x8F80];
	[tilespmem:$0xB610] =	vst v57  }
0x227: {  	v63 =	vld [tilespmem:$0x8F90];
	[tilespmem:$0xB680] =	vst v58  }
0x228: {  	[tilespmem:$0xB690] =	vst v59  }
0x229: {  	[tilespmem:$0xB700] =	vst v60  }
0x22a: {  	s24 =	sadd.s32 $0x400, s24;
	[tilespmem:$0xB710] =	vst v61  }
0x22b: {  	p0 =	sne.s32 s24, $0xF800;
	[tilespmem:$0xB780] =	vst v62  }
.Ltmp0:
0x22c: {  	s26 =	sadd.s32 $0x100, s31;
	[tilespmem:$0xB790] =	vst v63;
	(pc) =	sbr.rel @p0 .LBB2_2-.Ltmp0, $4  }
0x22d: {  	[spmem:s1] =	stream.indirect.scatter.add.f32 [tilespmem:s16], [sflag:$0x3], $0x80, s26, s19, $0xb8;
	[tilespmem:$0x1F800] =	vst v63  }
0x22e: {  	_ =	swait.ge [sflag:s15], $0x2800  }
0x22f: {  	[sflag:s15] =	ssyncset.done $0x0  }
0x230: {  	s23 =	sadd.s32 $0x5000, s23;
	s25 =	sadd.s32 $0xA00, s25;
	[sflag:s15] =	ssyncadd.s32 $0xFFFFD800  }
0x231: {  	s22 =	sadd.s32 $0x1, s22  }
0x232: {  	p0 =	sne.s32 s22, s11  }
.Ltmp1:
0x233: {  	[bflag:$0x0] =	sbarrier.arrive $0xFFFF;
	(pc) =	sbr.rel @p0 .LBB2_1-.Ltmp1, $4  }
0x234: {  	[hbm:s10], [sflag:s6] =	dma.local [spmem:s14], $0x2800  }
0x235: {  	_ =	swait.ge [sflag:s15], $0x2800  }
0x236: {  	[sflag:s15] =	ssyncset.done $0x0  }
0x237: {  	[sflag:s15] =	ssyncadd.s32 $0xFFFFD800  }
0x238: {  	_ =	sfence.sel $0x180000  }
0x239: {  	[bflag:$0x0] =	sbarrier.arrive $0xFFFF  }
0x23a: {  	p0 =	sne.s32 s2, $0x0;
	_ =	strace $0x90000047  }
0x23b: {  	s0 =	sadd.s32 @!p0 $0x100000, s0;
	[bflag:$0x2] =	sbarrier.arrive $0xFFFF  }
0x23c: {  	[sflag:s0] =	ssyncadd.tile.s32 @!p0 $0x1;
	_ =	shalt  }
.Lfunc_end2:
_tile_overlayer_lowered:
.L_overlay_start_2:
0x23d: {  	(tag) =	ssettag $0x2  }
0x23e: {  	s0 =	rddreg [dreg:$0x0];
	s2 =	stileid.u32  }
0x23f: {  	s1 =	rddreg [dreg:$0x1];
	p0 =	sne.s32 s2, $0x0  }
0x240: {  	s3 =	rddreg [dreg:$0x2];
	[bflag:$0x3] =	sbarrier.arrive $0xFFFF;
	s2 =	simm.s32 @!p0 $0x1C03  }
0x241: {  	[timem:s3], [sflag:s2] =	dma.local @!p0 [hbm:s0], s1  }
0x242: {  	s0 =	simm.s32 @!p0 $0x3  }
0x243: {  	_ =	swait.ge @!p0 [sflag:s0], s1  }
0x244: {  	s1 =	ssub.s32 @!p0 $0x0, s1;
	[sflag:s0] =	ssyncset.done @!p0 $0x0  }
0x245: {  	[sflag:s0] =	ssyncadd.s32 @!p0 s1  }
0x246: {  	[bflag:$0x3] =	sbarrier.arrive $0xFFFF  }
0x247: {  	_ =	shalt  }

</sc_bundles>
